<compile_context>
chip_gen: v7x
topology: tpu7x:2x2x1
jax: 0.10.2.dev20260603
libtpu: 0.0.44.dev20260713+nightly
codegen_flags: <defaults>
</compile_context>

<pallas_src>
import jax
import jax.numpy as jnp
from jax import lax
from jax.experimental import pallas as pl
from jax.experimental.pallas import tpu as pltpu
from jax.experimental.pallas import tpu_sc as plsc

N_PTS = 200000
NVIEW = 4
IMG_H = 256
IMG_W = 256
NC = 2
NS = 16
LANES = 16
VIEWS_PER_CORE = NVIEW // NC
PACK_H = IMG_H // 2
CHUNK = 12544
NPAD = NS * CHUNK
ITERS = CHUNK // LANES
NCOEF = 19
EPS = 1e-8


def _bf16_round(v):
    r = lax.bitcast_convert_type(v, jnp.uint32)
    lsb = lax.shift_right_logical(r, jnp.uint32(16)) & jnp.uint32(1)
    r = (r + jnp.uint32(0x7FFF) + lsb) & jnp.uint32(0xFFFF0000)
    return lax.bitcast_convert_type(r, jnp.float32)


def _inv4(m):
    a = [[m[:, i, j] for j in range(4)] for i in range(4)]

    def det2(r0, r1, c0, c1):
        return a[r0][c0] * a[r1][c1] - a[r0][c1] * a[r1][c0]

    s0 = det2(0, 1, 0, 1); s1 = det2(0, 1, 0, 2); s2 = det2(0, 1, 0, 3)
    s3 = det2(0, 1, 1, 2); s4 = det2(0, 1, 1, 3); s5 = det2(0, 1, 2, 3)
    c5 = det2(2, 3, 2, 3); c4 = det2(2, 3, 1, 3); c3 = det2(2, 3, 1, 2)
    c2 = det2(2, 3, 0, 3); c1 = det2(2, 3, 0, 2); c0 = det2(2, 3, 0, 1)
    det = s0 * c5 - s1 * c4 + s2 * c3 + s3 * c2 - s4 * c1 + s5 * c0
    r = 1.0 / det
    inv = [
        [(a[1][1] * c5 - a[1][2] * c4 + a[1][3] * c3) * r,
         (-a[0][1] * c5 + a[0][2] * c4 - a[0][3] * c3) * r,
         (a[3][1] * s5 - a[3][2] * s4 + a[3][3] * s3) * r,
         (-a[2][1] * s5 + a[2][2] * s4 - a[2][3] * s3) * r],
        [(-a[1][0] * c5 + a[1][2] * c2 - a[1][3] * c1) * r,
         (a[0][0] * c5 - a[0][2] * c2 + a[0][3] * c1) * r,
         (-a[3][0] * s5 + a[3][2] * s2 - a[3][3] * s1) * r,
         (a[2][0] * s5 - a[2][2] * s2 + a[2][3] * s1) * r],
        [(a[1][0] * c4 - a[1][1] * c2 + a[1][3] * c0) * r,
         (-a[0][0] * c4 + a[0][1] * c2 - a[0][3] * c0) * r,
         (a[3][0] * s4 - a[3][1] * s2 + a[3][3] * s0) * r,
         (-a[2][0] * s4 + a[2][1] * s2 - a[2][3] * s0) * r],
        [(-a[1][0] * c3 + a[1][1] * c1 - a[1][2] * c0) * r,
         (a[0][0] * c3 - a[0][1] * c1 + a[0][2] * c0) * r,
         (-a[3][0] * s3 + a[3][1] * s1 - a[3][2] * s0) * r,
         (a[2][0] * s3 - a[2][1] * s1 + a[2][2] * s0) * r],
    ]
    return inv


def _sc_body(coef_hbm, xs_hbm, ys_hbm, zs_hbm, maps_hbm, out_hbm,
             coef_v, x_v, y_v, z_v, map_a, map_b, acc_v, sem_a, sem_b, sem_p):
    core = lax.axis_index("c")
    sub = lax.axis_index("s")
    base = sub * CHUNK
    bufs = (map_a, map_b)
    sems = (sem_a, sem_b)
    handles = [
        pltpu.async_copy(maps_hbm.at[core * VIEWS_PER_CORE], map_a, sem_a),
        None,
    ]
    hx = pltpu.async_copy(xs_hbm.at[pl.ds(base, CHUNK)], x_v, sem_p)
    hy = pltpu.async_copy(ys_hbm.at[pl.ds(base, CHUNK)], y_v, sem_p)
    hz = pltpu.async_copy(zs_hbm.at[pl.ds(base, CHUNK)], z_v, sem_p)
    pltpu.sync_copy(coef_hbm, coef_v)
    hx.wait()
    hy.wait()
    hz.wait()

    for k in range(VIEWS_PER_CORE):
        view = core * VIEWS_PER_CORE + k
        handles[k % 2].wait()
        if k + 1 < VIEWS_PER_CORE:
            handles[(k + 1) % 2] = pltpu.async_copy(
                maps_hbm.at[view + 1], bufs[(k + 1) % 2], sems[(k + 1) % 2])
        map_v = bufs[k % 2]
        coff = view * (NCOEF * LANES)
        cv = [coef_v[pl.ds(coff + j * LANES, LANES)] for j in range(NCOEF)]
        (a0, a1, a2, a3, b0, b1, b2, b3, c0, c1, c2, c3,
         i00, i01, i02, i10, i11, i12, alpha) = cv

        def body(i, carry, k=k, map_v=map_v):
            s = i * LANES
            x = x_v[pl.ds(s, LANES)]
            y = y_v[pl.ds(s, LANES)]
            z = z_v[pl.ds(s, LANES)]
            camx = x * a0 + y * a1 + z * a2 + a3
            camy = x * b0 + y * b1 + z * b2 + b3
            camz = x * c0 + y * c1 + z * c2 + c3
            zd = camz + EPS
            xn = _bf16_round(camx / zd)
            yn = _bf16_round(camy / zd)
            u = xn * i00 + yn * i01 + i02
            v_ = xn * i10 + yn * i11 + i12
            zero = jnp.float32(0.0)
            one = jnp.float32(1.0)
            m = ((u >= zero) & (u < one) & (v_ >= zero) & (v_ < one)
                 & (camz > jnp.float32(EPS)))
            px = (u * jnp.float32(IMG_W)).astype(jnp.int32) & (IMG_W - 1)
            py = (v_ * jnp.float32(IMG_H)).astype(jnp.int32) & (IMG_H - 1)
            word = plsc.load_gather(map_v, [py & (PACK_H - 1), px])
            wu = lax.bitcast_convert_type(word, jnp.uint32)
            hi = py >= PACK_H
            fbits = jnp.where(hi, wu & jnp.uint32(0xFFFF0000),
                              lax.shift_left(wu, jnp.uint32(16)))
            val = lax.bitcast_convert_type(fbits, jnp.float32)
            res = jnp.where(m, val, zero) * alpha
            if k == 0:
                acc_v[pl.ds(s, LANES)] = res
            else:
                acc_v[pl.ds(s, LANES)] = acc_v[pl.ds(s, LANES)] + res
            return carry

        lax.fori_loop(0, ITERS, body, 0)

    pltpu.sync_copy(acc_v, out_hbm.at[pl.ds(core * NPAD + base, CHUNK)])


def kernel(gaussian_centers, score_maps, extrinsics, intrinsics, alphas):
    def bf(a):
        r = lax.bitcast_convert_type(a.astype(jnp.float32), jnp.uint32)
        lsb = lax.shift_right_logical(r, jnp.uint32(16)) & jnp.uint32(1)
        r = (r + jnp.uint32(0x7FFF) + lsb) & jnp.uint32(0xFFFF0000)
        return lax.bitcast_convert_type(r, jnp.float32)

    w2c = _inv4(extrinsics.astype(jnp.float32))
    intr = intrinsics.astype(jnp.float32)
    cols = ([w2c[0][j] for j in range(4)] + [w2c[1][j] for j in range(4)]
            + [w2c[2][j] for j in range(4)]
            + [intr[:, 0, 0], intr[:, 0, 1]])
    cols = [bf(c) for c in cols] + [intr[:, 0, 2]]
    cols += [bf(intr[:, 1, 0]), bf(intr[:, 1, 1]), intr[:, 1, 2], bf(alphas)]
    coef = jnp.stack(cols, axis=1).astype(jnp.float32)
    coef_b = jnp.broadcast_to(coef[:, :, None],
                              (NVIEW, NCOEF, LANES)).reshape(-1)

    pts = bf(jnp.concatenate(
        [gaussian_centers.astype(jnp.float32),
         jnp.zeros((NPAD - N_PTS, 3), jnp.float32)], axis=0))
    xs = pts[:, 0]
    ys = pts[:, 1]
    zs = pts[:, 2]
    r = lax.bitcast_convert_type(score_maps.astype(jnp.float32), jnp.uint32)
    lsb = lax.shift_right_logical(r, jnp.uint32(16)) & jnp.uint32(1)
    rb = r + jnp.uint32(0x7FFF) + lsb
    lo = lax.shift_right_logical(rb[:, :PACK_H, :], jnp.uint32(16))
    hi = rb[:, PACK_H:, :] & jnp.uint32(0xFFFF0000)
    mwords = lax.bitcast_convert_type(lo | hi, jnp.int32)

    mesh = plsc.VectorSubcoreMesh(core_axis_name="c", subcore_axis_name="s",
                                  num_cores=NC, num_subcores=NS)
    call = pl.kernel(
        _sc_body,
        out_type=jax.ShapeDtypeStruct((NC * NPAD,), jnp.float32),
        mesh=mesh,
        compiler_params=pltpu.CompilerParams(use_tc_tiling_on_sc=False,
                                             needs_layout_passes=False),
        scratch_types=[
            pltpu.VMEM((NVIEW * NCOEF * LANES,), jnp.float32),
            pltpu.VMEM((CHUNK,), jnp.float32),
            pltpu.VMEM((CHUNK,), jnp.float32),
            pltpu.VMEM((CHUNK,), jnp.float32),
            pltpu.VMEM((PACK_H, IMG_W), jnp.int32),
            pltpu.VMEM((PACK_H, IMG_W), jnp.int32),
            pltpu.VMEM((CHUNK,), jnp.float32),
            pltpu.SemaphoreType.DMA,
            pltpu.SemaphoreType.DMA,
            pltpu.SemaphoreType.DMA,
        ],
    )
    part = call(coef_b, xs, ys, zs, mwords)
    return part[:N_PTS] + part[NPAD:NPAD + N_PTS]

# --- scband reference (transcript-rebuilt; emitter-appended) ---
"""Pipeline reference for scband-cascade-gaussian-adapter-58858231824543 (READ-ONLY COPY).

The authoritative reference and input builder live on the scoring server;
editing this copy changes nothing except your own understanding.
"""

import jax, jax.numpy as jnp
import numpy as np

N = 200000
V = 4
H = 256
W = 256


def setup_inputs(seed: int = 0) -> dict:
    key = jax.random.key(seed)
    k1, k2, k3 = jax.random.split(key, 3)
    # world points mostly in front of the cameras so many project in-bounds
    xy = jax.random.uniform(k1, (N, 2), minval=-2.0, maxval=2.0, dtype=jnp.float32)
    z = jax.random.uniform(k2, (N, 1), minval=0.5, maxval=6.0, dtype=jnp.float32)
    gaussian_centers = jnp.concatenate([xy, z], axis=-1)
    score_maps = jax.random.uniform(k3, (V, H, W), dtype=jnp.float32)
    # normalized pinhole intrinsics (ndc in [0,1])
    intr = jnp.array([[0.8, 0.0, 0.5], [0.0, 0.8, 0.5], [0.0, 0.0, 1.0]], dtype=jnp.float32)
    intrinsics = jnp.tile(intr[None], (V, 1, 1))
    # camera-to-world extrinsics: identity rotation, small x-translations
    exts = []
    for v in range(V):
        e = np.eye(4, dtype=np.float32)
        e[0, 3] = 0.3 * v
        exts.append(e)
    extrinsics = jnp.asarray(np.stack(exts, axis=0))
    alphas = jnp.full((V,), 1.0 / V, dtype=jnp.float32)
    return {
        "gaussian_centers": gaussian_centers,
        "score_maps": score_maps,
        "extrinsics": extrinsics,
        "intrinsics": intrinsics,
        "alphas": alphas,
    }


def project(points, intrinsics, extrinsics, epsilon=1e-8):
    # extrinsics: camera-to-world 4x4 -> invert to world-to-camera
    w2c = jnp.linalg.inv(extrinsics)
    ph = jnp.concatenate([points, jnp.ones((points.shape[0], 1), points.dtype)], axis=-1)
    cam = (ph @ w2c.T)[:, :3]
    z = cam[:, 2]
    xy = cam[:, :2] / (z[:, None] + epsilon)
    pix = xy @ intrinsics[:2, :2].T + intrinsics[:2, 2]
    return pix, z > epsilon


def reference(gaussian_centers, score_maps, extrinsics, intrinsics, alphas):
    # JAX translation of CascadeGaussianAdapter.gaussian_scorer:
    # per-view projection -> masked gather from score maps -> scatter into
    # per-gaussian score memory (zeros-init, masked write) -> matmul with alphas.
    v, h, w = score_maps.shape
    cols = []
    for view in range(v):
        ndc, valid_z = project(gaussian_centers, intrinsics[view], extrinsics[view], 1e-8)
        valid_x = (ndc[:, 0] >= 0) & (ndc[:, 0] < 1)
        valid_y = (ndc[:, 1] >= 0) & (ndc[:, 1] < 1)
        mask = valid_x & valid_y & valid_z
        px = jnp.clip(jnp.floor(ndc[:, 0] * w).astype(jnp.int32), 0, w - 1)
        py = jnp.clip(jnp.floor(ndc[:, 1] * h).astype(jnp.int32), 0, h - 1)
        vals = score_maps[view][py, px]
        # equivalent to gaussian_scores[mask, view] = score_maps[view, py, px]
        cols.append(jnp.where(mask, vals, jnp.zeros_like(vals)))
    gaussian_scores = jnp.stack(cols, axis=1)  # [N, V]
    return gaussian_scores @ alphas

if __name__ == "__main__":
    import jax
    _d = setup_inputs()
    print(jax.jit(kernel)(*tuple(_d.values())))

</pallas_src>

<mosaic_0001>
#map = affine_map<(d0, d1) -> (0)>
#map1 = affine_map<(d0, d1) -> (0, 0, 0)>
module attributes {stable_mosaic.version = 14 : i64} {
  func.func @_sc_body(%arg0: i32, %arg1: i32, %arg2: memref<1216xf32, #tpu.memory_space<hbm>>, %arg3: memref<200704xf32, #tpu.memory_space<hbm>>, %arg4: memref<200704xf32, #tpu.memory_space<hbm>>, %arg5: memref<200704xf32, #tpu.memory_space<hbm>>, %arg6: memref<4x128x256xi32, #tpu.memory_space<hbm>>, %arg7: memref<401408xf32, #tpu.memory_space<hbm>>, %arg8: memref<1216xf32, #tpu.memory_space<vmem>>, %arg9: memref<12544xf32, #tpu.memory_space<vmem>>, %arg10: memref<12544xf32, #tpu.memory_space<vmem>>, %arg11: memref<12544xf32, #tpu.memory_space<vmem>>, %arg12: memref<128x256xi32, #tpu.memory_space<vmem>>, %arg13: memref<128x256xi32, #tpu.memory_space<vmem>>, %arg14: memref<12544xf32, #tpu.memory_space<vmem>>, %arg15: memref<!tpu.dma_semaphore, #tpu.memory_space<semaphore_mem>>, %arg16: memref<!tpu.dma_semaphore, #tpu.memory_space<semaphore_mem>>, %arg17: memref<!tpu.dma_semaphore, #tpu.memory_space<semaphore_mem>>) attributes {dimension_semantics = [#tpu.dimension_semantics<core_parallel>, #tpu.dimension_semantics<subcore_parallel>], iteration_bounds = array<i64: 2, 16>, scalar_prefetch = 0 : i64, scratch_operands = 10 : i64, tpu.core_type = #tpu.core_type<sc_vector_subcore>, window_params = [{transform_indices = #map}, {transform_indices = #map}, {transform_indices = #map}, {transform_indices = #map}, {transform_indices = #map1}, {transform_indices = #map}]} {
    %mul3A = arith.constant 12544 : i32
    %mul3A_0 = arith.muli %arg1, %mul3A : i32
    %mul3A_1 = arith.constant 2 : i32
    %mul3A_2 = arith.muli %arg0, %mul3A_1 : i32
    %dma_start3A = arith.constant 0 : i32
    %dma_start3A_3 = arith.constant 0 : i32
    %dma_start3A_4 = tpu.memref_slice %arg6[%mul3A_2, %dma_start3A, %dma_start3A_3] : memref<4x128x256xi32, #tpu.memory_space<hbm>> -> memref<1x128x256xi32, #tpu.memory_space<hbm>>
    %dma_start3A_5 = tpu.memref_squeeze %dma_start3A_4 : memref<1x128x256xi32, #tpu.memory_space<hbm>> -> memref<128x256xi32, #tpu.memory_space<hbm>>
    %dma_start3A_6 = arith.constant 0 : i32
    %dma_start3A_7 = arith.constant 0 : i32
    %dma_start3A_8 = tpu.memref_slice %arg6[%mul3A_2, %dma_start3A_6, %dma_start3A_7] : memref<4x128x256xi32, #tpu.memory_space<hbm>> -> memref<1x128x256xi32, #tpu.memory_space<hbm>>
    %dma_start3A_9 = tpu.memref_squeeze %dma_start3A_8 : memref<1x128x256xi32, #tpu.memory_space<hbm>> -> memref<128x256xi32, #tpu.memory_space<hbm>>
    tpu.enqueue_dma source(%dma_start3A_9 : memref<128x256xi32, #tpu.memory_space<hbm>>) target(%arg12 : memref<128x256xi32, #tpu.memory_space<vmem>>) target_semaphore(%arg15 : memref<!tpu.dma_semaphore, #tpu.memory_space<semaphore_mem>>)
    %dma_start3A_10 = tpu.memref_slice %arg3[%mul3A_0] : memref<200704xf32, #tpu.memory_space<hbm>> -> memref<12544xf32, #tpu.memory_space<hbm>>
    %dma_start3A_11 = tpu.memref_slice %arg3[%mul3A_0] : memref<200704xf32, #tpu.memory_space<hbm>> -> memref<12544xf32, #tpu.memory_space<hbm>>
    tpu.enqueue_dma source(%dma_start3A_11 : memref<12544xf32, #tpu.memory_space<hbm>>) target(%arg9 : memref<12544xf32, #tpu.memory_space<vmem>>) target_semaphore(%arg17 : memref<!tpu.dma_semaphore, #tpu.memory_space<semaphore_mem>>)
    %dma_start3A_12 = tpu.memref_slice %arg4[%mul3A_0] : memref<200704xf32, #tpu.memory_space<hbm>> -> memref<12544xf32, #tpu.memory_space<hbm>>
    %dma_start3A_13 = tpu.memref_slice %arg4[%mul3A_0] : memref<200704xf32, #tpu.memory_space<hbm>> -> memref<12544xf32, #tpu.memory_space<hbm>>
    tpu.enqueue_dma source(%dma_start3A_13 : memref<12544xf32, #tpu.memory_space<hbm>>) target(%arg10 : memref<12544xf32, #tpu.memory_space<vmem>>) target_semaphore(%arg17 : memref<!tpu.dma_semaphore, #tpu.memory_space<semaphore_mem>>)
    %dma_start3A_14 = tpu.memref_slice %arg5[%mul3A_0] : memref<200704xf32, #tpu.memory_space<hbm>> -> memref<12544xf32, #tpu.memory_space<hbm>>
    %dma_start3A_15 = tpu.memref_slice %arg5[%mul3A_0] : memref<200704xf32, #tpu.memory_space<hbm>> -> memref<12544xf32, #tpu.memory_space<hbm>>
    tpu.enqueue_dma source(%dma_start3A_15 : memref<12544xf32, #tpu.memory_space<hbm>>) target(%arg11 : memref<12544xf32, #tpu.memory_space<vmem>>) target_semaphore(%arg17 : memref<!tpu.dma_semaphore, #tpu.memory_space<semaphore_mem>>)
    "tpu.region"() ({
      %run_scoped3A = tpu.sem_alloc : memref<!tpu.dma_semaphore, #tpu.memory_space<semaphore_mem>>
      tpu.enqueue_dma source(%arg2 : memref<1216xf32, #tpu.memory_space<hbm>>) target(%arg8 : memref<1216xf32, #tpu.memory_space<vmem>>) target_semaphore(%run_scoped3A : memref<!tpu.dma_semaphore, #tpu.memory_space<semaphore_mem>>)
      tpu.wait_dma2 semaphore(%run_scoped3A : memref<!tpu.dma_semaphore, #tpu.memory_space<semaphore_mem>>) src(%arg2 : memref<1216xf32, #tpu.memory_space<hbm>>) dst(%arg8 : memref<1216xf32, #tpu.memory_space<vmem>>)
      tpu.yield
    }) : () -> ()
    %dma_wait3A = tpu.memref_slice %arg3[%mul3A_0] : memref<200704xf32, #tpu.memory_space<hbm>> -> memref<12544xf32, #tpu.memory_space<hbm>>
    %dma_wait3A_16 = tpu.memref_slice %arg3[%mul3A_0] : memref<200704xf32, #tpu.memory_space<hbm>> -> memref<12544xf32, #tpu.memory_space<hbm>>
    tpu.wait_dma2 semaphore(%arg17 : memref<!tpu.dma_semaphore, #tpu.memory_space<semaphore_mem>>) src(%dma_wait3A_16 : memref<12544xf32, #tpu.memory_space<hbm>>) dst(%arg9 : memref<12544xf32, #tpu.memory_space<vmem>>)
    %dma_wait3A_17 = tpu.memref_slice %arg4[%mul3A_0] : memref<200704xf32, #tpu.memory_space<hbm>> -> memref<12544xf32, #tpu.memory_space<hbm>>
    %dma_wait3A_18 = tpu.memref_slice %arg4[%mul3A_0] : memref<200704xf32, #tpu.memory_space<hbm>> -> memref<12544xf32, #tpu.memory_space<hbm>>
    tpu.wait_dma2 semaphore(%arg17 : memref<!tpu.dma_semaphore, #tpu.memory_space<semaphore_mem>>) src(%dma_wait3A_18 : memref<12544xf32, #tpu.memory_space<hbm>>) dst(%arg10 : memref<12544xf32, #tpu.memory_space<vmem>>)
    %dma_wait3A_19 = tpu.memref_slice %arg5[%mul3A_0] : memref<200704xf32, #tpu.memory_space<hbm>> -> memref<12544xf32, #tpu.memory_space<hbm>>
    %dma_wait3A_20 = tpu.memref_slice %arg5[%mul3A_0] : memref<200704xf32, #tpu.memory_space<hbm>> -> memref<12544xf32, #tpu.memory_space<hbm>>
    tpu.wait_dma2 semaphore(%arg17 : memref<!tpu.dma_semaphore, #tpu.memory_space<semaphore_mem>>) src(%dma_wait3A_20 : memref<12544xf32, #tpu.memory_space<hbm>>) dst(%arg11 : memref<12544xf32, #tpu.memory_space<vmem>>)
    %mul3A_21 = arith.constant 2 : i32
    %mul3A_22 = arith.muli %arg0, %mul3A_21 : i32
    %add3A = arith.constant 0 : i32
    %add3A_23 = arith.addi %mul3A_22, %add3A : i32
    %dma_wait3A_24 = arith.constant 0 : i32
    %dma_wait3A_25 = arith.constant 0 : i32
    %dma_wait3A_26 = tpu.memref_slice %arg6[%mul3A_2, %dma_wait3A_24, %dma_wait3A_25] : memref<4x128x256xi32, #tpu.memory_space<hbm>> -> memref<1x128x256xi32, #tpu.memory_space<hbm>>
    %dma_wait3A_27 = tpu.memref_squeeze %dma_wait3A_26 : memref<1x128x256xi32, #tpu.memory_space<hbm>> -> memref<128x256xi32, #tpu.memory_space<hbm>>
    %dma_wait3A_28 = arith.constant 0 : i32
    %dma_wait3A_29 = arith.constant 0 : i32
    %dma_wait3A_30 = tpu.memref_slice %arg6[%mul3A_2, %dma_wait3A_28, %dma_wait3A_29] : memref<4x128x256xi32, #tpu.memory_space<hbm>> -> memref<1x128x256xi32, #tpu.memory_space<hbm>>
    %dma_wait3A_31 = tpu.memref_squeeze %dma_wait3A_30 : memref<1x128x256xi32, #tpu.memory_space<hbm>> -> memref<128x256xi32, #tpu.memory_space<hbm>>
    tpu.wait_dma2 semaphore(%arg15 : memref<!tpu.dma_semaphore, #tpu.memory_space<semaphore_mem>>) src(%dma_wait3A_31 : memref<128x256xi32, #tpu.memory_space<hbm>>) dst(%arg12 : memref<128x256xi32, #tpu.memory_space<vmem>>)
    %add3A_32 = arith.constant 1 : i32
    %add3A_33 = arith.addi %add3A_23, %add3A_32 : i32
    %dma_start3A_34 = arith.constant 0 : i32
    %dma_start3A_35 = arith.constant 0 : i32
    %dma_start3A_36 = tpu.memref_slice %arg6[%add3A_33, %dma_start3A_34, %dma_start3A_35] : memref<4x128x256xi32, #tpu.memory_space<hbm>> -> memref<1x128x256xi32, #tpu.memory_space<hbm>>
    %dma_start3A_37 = tpu.memref_squeeze %dma_start3A_36 : memref<1x128x256xi32, #tpu.memory_space<hbm>> -> memref<128x256xi32, #tpu.memory_space<hbm>>
    %dma_start3A_38 = arith.constant 0 : i32
    %dma_start3A_39 = arith.constant 0 : i32
    %dma_start3A_40 = tpu.memref_slice %arg6[%add3A_33, %dma_start3A_38, %dma_start3A_39] : memref<4x128x256xi32, #tpu.memory_space<hbm>> -> memref<1x128x256xi32, #tpu.memory_space<hbm>>
    %dma_start3A_41 = tpu.memref_squeeze %dma_start3A_40 : memref<1x128x256xi32, #tpu.memory_space<hbm>> -> memref<128x256xi32, #tpu.memory_space<hbm>>
    tpu.enqueue_dma source(%dma_start3A_41 : memref<128x256xi32, #tpu.memory_space<hbm>>) target(%arg13 : memref<128x256xi32, #tpu.memory_space<vmem>>) target_semaphore(%arg16 : memref<!tpu.dma_semaphore, #tpu.memory_space<semaphore_mem>>)
    %mul3A_42 = arith.constant 304 : i32
    %mul3A_43 = arith.muli %add3A_23, %mul3A_42 : i32
    %add3A_44 = arith.constant 0 : i32
    %add3A_45 = arith.addi %mul3A_43, %add3A_44 : i32
    %get3A = arith.index_cast %add3A_45 : i32 to index
    %get3A_46 = tpu.vector_load %arg8[%get3A] {strides = array<i32>} : memref<1216xf32, #tpu.memory_space<vmem>>, vector<16xf32>,
    %add3A_47 = arith.constant 16 : i32
    %add3A_48 = arith.addi %mul3A_43, %add3A_47 : i32
    %get3A_49 = arith.index_cast %add3A_48 : i32 to index
    %get3A_50 = tpu.vector_load %arg8[%get3A_49] {strides = array<i32>} : memref<1216xf32, #tpu.memory_space<vmem>>, vector<16xf32>,
    %add3A_51 = arith.constant 32 : i32
    %add3A_52 = arith.addi %mul3A_43, %add3A_51 : i32
    %get3A_53 = arith.index_cast %add3A_52 : i32 to index
    %get3A_54 = tpu.vector_load %arg8[%get3A_53] {strides = array<i32>} : memref<1216xf32, #tpu.memory_space<vmem>>, vector<16xf32>,
    %add3A_55 = arith.constant 48 : i32
    %add3A_56 = arith.addi %mul3A_43, %add3A_55 : i32
    %get3A_57 = arith.index_cast %add3A_56 : i32 to index
    %get3A_58 = tpu.vector_load %arg8[%get3A_57] {strides = array<i32>} : memref<1216xf32, #tpu.memory_space<vmem>>, vector<16xf32>,
    %add3A_59 = arith.constant 64 : i32
    %add3A_60 = arith.addi %mul3A_43, %add3A_59 : i32
    %get3A_61 = arith.index_cast %add3A_60 : i32 to index
    %get3A_62 = tpu.vector_load %arg8[%get3A_61] {strides = array<i32>} : memref<1216xf32, #tpu.memory_space<vmem>>, vector<16xf32>,
    %add3A_63 = arith.constant 80 : i32
    %add3A_64 = arith.addi %mul3A_43, %add3A_63 : i32
    %get3A_65 = arith.index_cast %add3A_64 : i32 to index
    %get3A_66 = tpu.vector_load %arg8[%get3A_65] {strides = array<i32>} : memref<1216xf32, #tpu.memory_space<vmem>>, vector<16xf32>,
    %add3A_67 = arith.constant 96 : i32
    %add3A_68 = arith.addi %mul3A_43, %add3A_67 : i32
    %get3A_69 = arith.index_cast %add3A_68 : i32 to index
    %get3A_70 = tpu.vector_load %arg8[%get3A_69] {strides = array<i32>} : memref<1216xf32, #tpu.memory_space<vmem>>, vector<16xf32>,
    %add3A_71 = arith.constant 112 : i32
    %add3A_72 = arith.addi %mul3A_43, %add3A_71 : i32
    %get3A_73 = arith.index_cast %add3A_72 : i32 to index
    %get3A_74 = tpu.vector_load %arg8[%get3A_73] {strides = array<i32>} : memref<1216xf32, #tpu.memory_space<vmem>>, vector<16xf32>,
    %add3A_75 = arith.constant 128 : i32
    %add3A_76 = arith.addi %mul3A_43, %add3A_75 : i32
    %get3A_77 = arith.index_cast %add3A_76 : i32 to index
    %get3A_78 = tpu.vector_load %arg8[%get3A_77] {strides = array<i32>} : memref<1216xf32, #tpu.memory_space<vmem>>, vector<16xf32>,
    %add3A_79 = arith.constant 144 : i32
    %add3A_80 = arith.addi %mul3A_43, %add3A_79 : i32
    %get3A_81 = arith.index_cast %add3A_80 : i32 to index
    %get3A_82 = tpu.vector_load %arg8[%get3A_81] {strides = array<i32>} : memref<1216xf32, #tpu.memory_space<vmem>>, vector<16xf32>,
    %add3A_83 = arith.constant 160 : i32
    %add3A_84 = arith.addi %mul3A_43, %add3A_83 : i32
    %get3A_85 = arith.index_cast %add3A_84 : i32 to index
    %get3A_86 = tpu.vector_load %arg8[%get3A_85] {strides = array<i32>} : memref<1216xf32, #tpu.memory_space<vmem>>, vector<16xf32>,
    %add3A_87 = arith.constant 176 : i32
    %add3A_88 = arith.addi %mul3A_43, %add3A_87 : i32
    %get3A_89 = arith.index_cast %add3A_88 : i32 to index
    %get3A_90 = tpu.vector_load %arg8[%get3A_89] {strides = array<i32>} : memref<1216xf32, #tpu.memory_space<vmem>>, vector<16xf32>,
    %add3A_91 = arith.constant 192 : i32
    %add3A_92 = arith.addi %mul3A_43, %add3A_91 : i32
    %get3A_93 = arith.index_cast %add3A_92 : i32 to index
    %get3A_94 = tpu.vector_load %arg8[%get3A_93] {strides = array<i32>} : memref<1216xf32, #tpu.memory_space<vmem>>, vector<16xf32>,
    %add3A_95 = arith.constant 208 : i32
    %add3A_96 = arith.addi %mul3A_43, %add3A_95 : i32
    %get3A_97 = arith.index_cast %add3A_96 : i32 to index
    %get3A_98 = tpu.vector_load %arg8[%get3A_97] {strides = array<i32>} : memref<1216xf32, #tpu.memory_space<vmem>>, vector<16xf32>,
    %add3A_99 = arith.constant 224 : i32
    %add3A_100 = arith.addi %mul3A_43, %add3A_99 : i32
    %get3A_101 = arith.index_cast %add3A_100 : i32 to index
    %get3A_102 = tpu.vector_load %arg8[%get3A_101] {strides = array<i32>} : memref<1216xf32, #tpu.memory_space<vmem>>, vector<16xf32>,
    %add3A_103 = arith.constant 240 : i32
    %add3A_104 = arith.addi %mul3A_43, %add3A_103 : i32
    %get3A_105 = arith.index_cast %add3A_104 : i32 to index
    %get3A_106 = tpu.vector_load %arg8[%get3A_105] {strides = array<i32>} : memref<1216xf32, #tpu.memory_space<vmem>>, vector<16xf32>,
    %add3A_107 = arith.constant 256 : i32
    %add3A_108 = arith.addi %mul3A_43, %add3A_107 : i32
    %get3A_109 = arith.index_cast %add3A_108 : i32 to index
    %get3A_110 = tpu.vector_load %arg8[%get3A_109] {strides = array<i32>} : memref<1216xf32, #tpu.memory_space<vmem>>, vector<16xf32>,
    %add3A_111 = arith.constant 272 : i32
    %add3A_112 = arith.addi %mul3A_43, %add3A_111 : i32
    %get3A_113 = arith.index_cast %add3A_112 : i32 to index
    %get3A_114 = tpu.vector_load %arg8[%get3A_113] {strides = array<i32>} : memref<1216xf32, #tpu.memory_space<vmem>>, vector<16xf32>,
    %add3A_115 = arith.constant 288 : i32
    %add3A_116 = arith.addi %mul3A_43, %add3A_115 : i32
    %get3A_117 = arith.index_cast %add3A_116 : i32 to index
    %get3A_118 = tpu.vector_load %arg8[%get3A_117] {strides = array<i32>} : memref<1216xf32, #tpu.memory_space<vmem>>, vector<16xf32>,
    %scan3A = arith.constant 0 : i32
    %scan3A_119 = arith.constant 0 : i32
    %scan3A_120 = arith.constant 784 : i32
    %scan3A_121 = arith.addi %scan3A_119, %scan3A_120 : i32
    %scan3A_122 = arith.constant 1 : i32
    scf.for %scan3A_223 = %scan3A_119 to %scan3A_121 step %scan3A_122  : i32 {
      %mul3A_224 = arith.constant 16 : i32
      %mul3A_225 = arith.muli %scan3A_223, %mul3A_224 : i32
      %get3A_226 = arith.index_cast %mul3A_225 : i32 to index
      %get3A_227 = tpu.vector_load %arg9[%get3A_226] {strides = array<i32>} : memref<12544xf32, #tpu.memory_space<vmem>>, vector<16xf32>,
      %get3A_228 = arith.index_cast %mul3A_225 : i32 to index
      %get3A_229 = tpu.vector_load %arg10[%get3A_228] {strides = array<i32>} : memref<12544xf32, #tpu.memory_space<vmem>>, vector<16xf32>,
      %get3A_230 = arith.index_cast %mul3A_225 : i32 to index
      %get3A_231 = tpu.vector_load %arg11[%get3A_230] {strides = array<i32>} : memref<12544xf32, #tpu.memory_space<vmem>>, vector<16xf32>,
      %mul3A_232 = arith.mulf %get3A_227, %get3A_46 : vector<16xf32>
      %mul3A_233 = arith.mulf %get3A_229, %get3A_50 : vector<16xf32>
      %add3A_234 = arith.addf %mul3A_232, %mul3A_233 : vector<16xf32>
      %mul3A_235 = arith.mulf %get3A_231, %get3A_54 : vector<16xf32>
      %add3A_236 = arith.addf %add3A_234, %mul3A_235 : vector<16xf32>
      %add3A_237 = arith.addf %add3A_236, %get3A_58 : vector<16xf32>
      %mul3A_238 = arith.mulf %get3A_227, %get3A_62 : vector<16xf32>
      %mul3A_239 = arith.mulf %get3A_229, %get3A_66 : vector<16xf32>
      %add3A_240 = arith.addf %mul3A_238, %mul3A_239 : vector<16xf32>
      %mul3A_241 = arith.mulf %get3A_231, %get3A_70 : vector<16xf32>
      %add3A_242 = arith.addf %add3A_240, %mul3A_241 : vector<16xf32>
      %add3A_243 = arith.addf %add3A_242, %get3A_74 : vector<16xf32>
      %mul3A_244 = arith.mulf %get3A_227, %get3A_78 : vector<16xf32>
      %mul3A_245 = arith.mulf %get3A_229, %get3A_82 : vector<16xf32>
      %add3A_246 = arith.addf %mul3A_244, %mul3A_245 : vector<16xf32>
      %mul3A_247 = arith.mulf %get3A_231, %get3A_86 : vector<16xf32>
      %add3A_248 = arith.addf %add3A_246, %mul3A_247 : vector<16xf32>
      %add3A_249 = arith.addf %add3A_248, %get3A_90 : vector<16xf32>
      %add3A_250 = arith.constant 9.99999993E-9 : f32
      %add3A_251 = vector.broadcast %add3A_250 : f32 to vector<16xf32>
      %add3A_252 = arith.addf %add3A_249, %add3A_251 : vector<16xf32>
      %div3A = arith.divf %add3A_237, %add3A_252 : vector<16xf32>
      %bitcast_convert_type3A = tpu.bitcast %div3A : vector<16xf32> -> vector<16xi32>
      %shift_right_logical3A = arith.constant 16 : i32
      %shift_right_logical3A_253 = vector.broadcast %shift_right_logical3A : i32 to vector<16xi32>
      %shift_right_logical3A_254 = arith.shrui %bitcast_convert_type3A, %shift_right_logical3A_253 : vector<16xi32>
      %and3A = arith.constant 1 : i32
      %and3A_255 = vector.broadcast %and3A : i32 to vector<16xi32>
      %and3A_256 = arith.andi %shift_right_logical3A_254, %and3A_255 : vector<16xi32>
      %add3A_257 = arith.constant 32767 : i32
      %add3A_258 = vector.broadcast %add3A_257 : i32 to vector<16xi32>
      %add3A_259 = arith.addi %bitcast_convert_type3A, %add3A_258 : vector<16xi32>
      %add3A_260 = arith.addi %add3A_259, %and3A_256 : vector<16xi32>
      %and3A_261 = arith.constant -65536 : i32
      %and3A_262 = vector.broadcast %and3A_261 : i32 to vector<16xi32>
      %and3A_263 = arith.andi %add3A_260, %and3A_262 : vector<16xi32>
      %bitcast_convert_type3A_264 = tpu.bitcast %and3A_263 : vector<16xi32> -> vector<16xf32>
      %div3A_265 = arith.divf %add3A_243, %add3A_252 : vector<16xf32>
      %bitcast_convert_type3A_266 = tpu.bitcast %div3A_265 : vector<16xf32> -> vector<16xi32>
      %shift_right_logical3A_267 = arith.constant 16 : i32
      %shift_right_logical3A_268 = vector.broadcast %shift_right_logical3A_267 : i32 to vector<16xi32>
      %shift_right_logical3A_269 = arith.shrui %bitcast_convert_type3A_266, %shift_right_logical3A_268 : vector<16xi32>
      %and3A_270 = arith.constant 1 : i32
      %and3A_271 = vector.broadcast %and3A_270 : i32 to vector<16xi32>
      %and3A_272 = arith.andi %shift_right_logical3A_269, %and3A_271 : vector<16xi32>
      %add3A_273 = arith.constant 32767 : i32
      %add3A_274 = vector.broadcast %add3A_273 : i32 to vector<16xi32>
      %add3A_275 = arith.addi %bitcast_convert_type3A_266, %add3A_274 : vector<16xi32>
      %add3A_276 = arith.addi %add3A_275, %and3A_272 : vector<16xi32>
      %and3A_277 = arith.constant -65536 : i32
      %and3A_278 = vector.broadcast %and3A_277 : i32 to vector<16xi32>
      %and3A_279 = arith.andi %add3A_276, %and3A_278 : vector<16xi32>
      %bitcast_convert_type3A_280 = tpu.bitcast %and3A_279 : vector<16xi32> -> vector<16xf32>
      %mul3A_281 = arith.mulf %bitcast_convert_type3A_264, %get3A_94 : vector<16xf32>
      %mul3A_282 = arith.mulf %bitcast_convert_type3A_280, %get3A_98 : vector<16xf32>
      %add3A_283 = arith.addf %mul3A_281, %mul3A_282 : vector<16xf32>
      %add3A_284 = arith.addf %add3A_283, %get3A_102 : vector<16xf32>
      %mul3A_285 = arith.mulf %bitcast_convert_type3A_264, %get3A_106 : vector<16xf32>
      %mul3A_286 = arith.mulf %bitcast_convert_type3A_280, %get3A_110 : vector<16xf32>
      %add3A_287 = arith.addf %mul3A_285, %mul3A_286 : vector<16xf32>
      %add3A_288 = arith.addf %add3A_287, %get3A_114 : vector<16xf32>
      %ge3A = arith.constant 0.000000e+00 : f32
      %ge3A_289 = vector.broadcast %ge3A : f32 to vector<16xf32>
      %ge3A_290 = arith.cmpf oge, %add3A_284, %ge3A_289 : vector<16xf32>
      %lt3A = arith.constant 1.000000e+00 : f32
      %lt3A_291 = vector.broadcast %lt3A : f32 to vector<16xf32>
      %lt3A_292 = arith.cmpf olt, %add3A_284, %lt3A_291 : vector<16xf32>
      %and3A_293 = arith.andi %ge3A_290, %lt3A_292 : vector<16xi1>
      %ge3A_294 = arith.constant 0.000000e+00 : f32
      %ge3A_295 = vector.broadcast %ge3A_294 : f32 to vector<16xf32>
      %ge3A_296 = arith.cmpf oge, %add3A_288, %ge3A_295 : vector<16xf32>
      %and3A_297 = arith.andi %and3A_293, %ge3A_296 : vector<16xi1>
      %lt3A_298 = arith.constant 1.000000e+00 : f32
      %lt3A_299 = vector.broadcast %lt3A_298 : f32 to vector<16xf32>
      %lt3A_300 = arith.cmpf olt, %add3A_288, %lt3A_299 : vector<16xf32>
      %and3A_301 = arith.andi %and3A_297, %lt3A_300 : vector<16xi1>
      %gt3A = arith.constant 9.99999993E-9 : f32
      %gt3A_302 = vector.broadcast %gt3A : f32 to vector<16xf32>
      %gt3A_303 = arith.cmpf ogt, %add3A_249, %gt3A_302 : vector<16xf32>
      %and3A_304 = arith.andi %and3A_301, %gt3A_303 : vector<16xi1>
      %mul3A_305 = arith.constant 2.560000e+02 : f32
      %mul3A_306 = vector.broadcast %mul3A_305 : f32 to vector<16xf32>
      %mul3A_307 = arith.mulf %add3A_284, %mul3A_306 : vector<16xf32>
      %convert_element_type3A = arith.fptosi %mul3A_307 : vector<16xf32> to vector<16xi32>
      %and3A_308 = arith.constant 255 : i32
      %and3A_309 = vector.broadcast %and3A_308 : i32 to vector<16xi32>
      %and3A_310 = arith.andi %convert_element_type3A, %and3A_309 : vector<16xi32>
      %mul3A_311 = arith.constant 2.560000e+02 : f32
      %mul3A_312 = vector.broadcast %mul3A_311 : f32 to vector<16xf32>
      %mul3A_313 = arith.mulf %add3A_288, %mul3A_312 : vector<16xf32>
      %convert_element_type3A_314 = arith.fptosi %mul3A_313 : vector<16xf32> to vector<16xi32>
      %and3A_315 = arith.constant 255 : i32
      %and3A_316 = vector.broadcast %and3A_315 : i32 to vector<16xi32>
      %and3A_317 = arith.andi %convert_element_type3A_314, %and3A_316 : vector<16xi32>
      %and3A_318 = arith.constant 127 : i32
      %and3A_319 = vector.broadcast %and3A_318 : i32 to vector<16xi32>
      %and3A_320 = arith.andi %and3A_317, %and3A_319 : vector<16xi32>
      %gather3A = tpu.vector_load_idx %arg12[%and3A_320, %and3A_310] : memref<128x256xi32, #tpu.memory_space<vmem>>[vector<16xi32>, vector<16xi32>], vector<16xi32>,
      %bitcast_convert_type3A_321 = tpu.bitcast %gather3A : vector<16xi32> -> vector<16xi32>
      %ge3A_322 = arith.constant 128 : i32
      %ge3A_323 = vector.broadcast %ge3A_322 : i32 to vector<16xi32>
      %ge3A_324 = arith.cmpi sge, %and3A_317, %ge3A_323 : vector<16xi32>
      %and3A_325 = arith.constant -65536 : i32
      %and3A_326 = vector.broadcast %and3A_325 : i32 to vector<16xi32>
      %and3A_327 = arith.andi %bitcast_convert_type3A_321, %and3A_326 : vector<16xi32>
      %shift_left3A = arith.constant 16 : i32
      %shift_left3A_328 = vector.broadcast %shift_left3A : i32 to vector<16xi32>
      %shift_left3A_329 = arith.shli %bitcast_convert_type3A_321, %shift_left3A_328 : vector<16xi32>
      %select_n3A = arith.select %ge3A_324, %and3A_327, %shift_left3A_329 : vector<16xi1>, vector<16xi32>
      %bitcast_convert_type3A_330 = tpu.bitcast %select_n3A : vector<16xi32> -> vector<16xf32>
      %jit3A = arith.constant 0.000000e+00 : f32
      %broadcast_in_dim3A = vector.broadcast %jit3A : f32 to vector<16xf32>
      %select_n3A_331 = arith.select %and3A_304, %bitcast_convert_type3A_330, %broadcast_in_dim3A : vector<16xi1>, vector<16xf32>
      %mul3A_332 = arith.mulf %select_n3A_331, %get3A_118 : vector<16xf32>
      %swap3A = arith.index_cast %mul3A_225 : i32 to index
      %swap3A_333 = tpu.vector_load %arg14[%swap3A] {strides = array<i32>} : memref<12544xf32, #tpu.memory_space<vmem>>, vector<16xf32>,
      tpu.vector_store %arg14[%swap3A], %mul3A_332 {strides = array<i32>} : memref<12544xf32, #tpu.memory_space<vmem>>, vector<16xf32>,
    }
    %scan3A_123 = arith.constant 784 : i32
    %mul3A_124 = arith.constant 2 : i32
    %mul3A_125 = arith.muli %arg0, %mul3A_124 : i32
    %add3A_126 = arith.constant 1 : i32
    %add3A_127 = arith.addi %mul3A_125, %add3A_126 : i32
    %dma_wait3A_128 = arith.constant 0 : i32
    %dma_wait3A_129 = arith.constant 0 : i32
    %dma_wait3A_130 = tpu.memref_slice %arg6[%add3A_33, %dma_wait3A_128, %dma_wait3A_129] : memref<4x128x256xi32, #tpu.memory_space<hbm>> -> memref<1x128x256xi32, #tpu.memory_space<hbm>>
    %dma_wait3A_131 = tpu.memref_squeeze %dma_wait3A_130 : memref<1x128x256xi32, #tpu.memory_space<hbm>> -> memref<128x256xi32, #tpu.memory_space<hbm>>
    %dma_wait3A_132 = arith.constant 0 : i32
    %dma_wait3A_133 = arith.constant 0 : i32
    %dma_wait3A_134 = tpu.memref_slice %arg6[%add3A_33, %dma_wait3A_132, %dma_wait3A_133] : memref<4x128x256xi32, #tpu.memory_space<hbm>> -> memref<1x128x256xi32, #tpu.memory_space<hbm>>
    %dma_wait3A_135 = tpu.memref_squeeze %dma_wait3A_134 : memref<1x128x256xi32, #tpu.memory_space<hbm>> -> memref<128x256xi32, #tpu.memory_space<hbm>>
    tpu.wait_dma2 semaphore(%arg16 : memref<!tpu.dma_semaphore, #tpu.memory_space<semaphore_mem>>) src(%dma_wait3A_135 : memref<128x256xi32, #tpu.memory_space<hbm>>) dst(%arg13 : memref<128x256xi32, #tpu.memory_space<vmem>>)
    %mul3A_136 = arith.constant 304 : i32
    %mul3A_137 = arith.muli %add3A_127, %mul3A_136 : i32
    %add3A_138 = arith.constant 0 : i32
    %add3A_139 = arith.addi %mul3A_137, %add3A_138 : i32
    %get3A_140 = arith.index_cast %add3A_139 : i32 to index
    %get3A_141 = tpu.vector_load %arg8[%get3A_140] {strides = array<i32>} : memref<1216xf32, #tpu.memory_space<vmem>>, vector<16xf32>,
    %add3A_142 = arith.constant 16 : i32
    %add3A_143 = arith.addi %mul3A_137, %add3A_142 : i32
    %get3A_144 = arith.index_cast %add3A_143 : i32 to index
    %get3A_145 = tpu.vector_load %arg8[%get3A_144] {strides = array<i32>} : memref<1216xf32, #tpu.memory_space<vmem>>, vector<16xf32>,
    %add3A_146 = arith.constant 32 : i32
    %add3A_147 = arith.addi %mul3A_137, %add3A_146 : i32
    %get3A_148 = arith.index_cast %add3A_147 : i32 to index
    %get3A_149 = tpu.vector_load %arg8[%get3A_148] {strides = array<i32>} : memref<1216xf32, #tpu.memory_space<vmem>>, vector<16xf32>,
    %add3A_150 = arith.constant 48 : i32
    %add3A_151 = arith.addi %mul3A_137, %add3A_150 : i32
    %get3A_152 = arith.index_cast %add3A_151 : i32 to index
    %get3A_153 = tpu.vector_load %arg8[%get3A_152] {strides = array<i32>} : memref<1216xf32, #tpu.memory_space<vmem>>, vector<16xf32>,
    %add3A_154 = arith.constant 64 : i32
    %add3A_155 = arith.addi %mul3A_137, %add3A_154 : i32
    %get3A_156 = arith.index_cast %add3A_155 : i32 to index
    %get3A_157 = tpu.vector_load %arg8[%get3A_156] {strides = array<i32>} : memref<1216xf32, #tpu.memory_space<vmem>>, vector<16xf32>,
    %add3A_158 = arith.constant 80 : i32
    %add3A_159 = arith.addi %mul3A_137, %add3A_158 : i32
    %get3A_160 = arith.index_cast %add3A_159 : i32 to index
    %get3A_161 = tpu.vector_load %arg8[%get3A_160] {strides = array<i32>} : memref<1216xf32, #tpu.memory_space<vmem>>, vector<16xf32>,
    %add3A_162 = arith.constant 96 : i32
    %add3A_163 = arith.addi %mul3A_137, %add3A_162 : i32
    %get3A_164 = arith.index_cast %add3A_163 : i32 to index
    %get3A_165 = tpu.vector_load %arg8[%get3A_164] {strides = array<i32>} : memref<1216xf32, #tpu.memory_space<vmem>>, vector<16xf32>,
    %add3A_166 = arith.constant 112 : i32
    %add3A_167 = arith.addi %mul3A_137, %add3A_166 : i32
    %get3A_168 = arith.index_cast %add3A_167 : i32 to index
    %get3A_169 = tpu.vector_load %arg8[%get3A_168] {strides = array<i32>} : memref<1216xf32, #tpu.memory_space<vmem>>, vector<16xf32>,
    %add3A_170 = arith.constant 128 : i32
    %add3A_171 = arith.addi %mul3A_137, %add3A_170 : i32
    %get3A_172 = arith.index_cast %add3A_171 : i32 to index
    %get3A_173 = tpu.vector_load %arg8[%get3A_172] {strides = array<i32>} : memref<1216xf32, #tpu.memory_space<vmem>>, vector<16xf32>,
    %add3A_174 = arith.constant 144 : i32
    %add3A_175 = arith.addi %mul3A_137, %add3A_174 : i32
    %get3A_176 = arith.index_cast %add3A_175 : i32 to index
    %get3A_177 = tpu.vector_load %arg8[%get3A_176] {strides = array<i32>} : memref<1216xf32, #tpu.memory_space<vmem>>, vector<16xf32>,
    %add3A_178 = arith.constant 160 : i32
    %add3A_179 = arith.addi %mul3A_137, %add3A_178 : i32
    %get3A_180 = arith.index_cast %add3A_179 : i32 to index
    %get3A_181 = tpu.vector_load %arg8[%get3A_180] {strides = array<i32>} : memref<1216xf32, #tpu.memory_space<vmem>>, vector<16xf32>,
    %add3A_182 = arith.constant 176 : i32
    %add3A_183 = arith.addi %mul3A_137, %add3A_182 : i32
    %get3A_184 = arith.index_cast %add3A_183 : i32 to index
    %get3A_185 = tpu.vector_load %arg8[%get3A_184] {strides = array<i32>} : memref<1216xf32, #tpu.memory_space<vmem>>, vector<16xf32>,
    %add3A_186 = arith.constant 192 : i32
    %add3A_187 = arith.addi %mul3A_137, %add3A_186 : i32
    %get3A_188 = arith.index_cast %add3A_187 : i32 to index
    %get3A_189 = tpu.vector_load %arg8[%get3A_188] {strides = array<i32>} : memref<1216xf32, #tpu.memory_space<vmem>>, vector<16xf32>,
    %add3A_190 = arith.constant 208 : i32
    %add3A_191 = arith.addi %mul3A_137, %add3A_190 : i32
    %get3A_192 = arith.index_cast %add3A_191 : i32 to index
    %get3A_193 = tpu.vector_load %arg8[%get3A_192] {strides = array<i32>} : memref<1216xf32, #tpu.memory_space<vmem>>, vector<16xf32>,
    %add3A_194 = arith.constant 224 : i32
    %add3A_195 = arith.addi %mul3A_137, %add3A_194 : i32
    %get3A_196 = arith.index_cast %add3A_195 : i32 to index
    %get3A_197 = tpu.vector_load %arg8[%get3A_196] {strides = array<i32>} : memref<1216xf32, #tpu.memory_space<vmem>>, vector<16xf32>,
    %add3A_198 = arith.constant 240 : i32
    %add3A_199 = arith.addi %mul3A_137, %add3A_198 : i32
    %get3A_200 = arith.index_cast %add3A_199 : i32 to index
    %get3A_201 = tpu.vector_load %arg8[%get3A_200] {strides = array<i32>} : memref<1216xf32, #tpu.memory_space<vmem>>, vector<16xf32>,
    %add3A_202 = arith.constant 256 : i32
    %add3A_203 = arith.addi %mul3A_137, %add3A_202 : i32
    %get3A_204 = arith.index_cast %add3A_203 : i32 to index
    %get3A_205 = tpu.vector_load %arg8[%get3A_204] {strides = array<i32>} : memref<1216xf32, #tpu.memory_space<vmem>>, vector<16xf32>,
    %add3A_206 = arith.constant 272 : i32
    %add3A_207 = arith.addi %mul3A_137, %add3A_206 : i32
    %get3A_208 = arith.index_cast %add3A_207 : i32 to index
    %get3A_209 = tpu.vector_load %arg8[%get3A_208] {strides = array<i32>} : memref<1216xf32, #tpu.memory_space<vmem>>, vector<16xf32>,
    %add3A_210 = arith.constant 288 : i32
    %add3A_211 = arith.addi %mul3A_137, %add3A_210 : i32
    %get3A_212 = arith.index_cast %add3A_211 : i32 to index
    %get3A_213 = tpu.vector_load %arg8[%get3A_212] {strides = array<i32>} : memref<1216xf32, #tpu.memory_space<vmem>>, vector<16xf32>,
    %scan3A_214 = arith.constant 0 : i32
    %scan3A_215 = arith.constant 0 : i32
    %scan3A_216 = arith.constant 784 : i32
    %scan3A_217 = arith.addi %scan3A_215, %scan3A_216 : i32
    %scan3A_218 = arith.constant 1 : i32
    scf.for %scan3A_223 = %scan3A_215 to %scan3A_217 step %scan3A_218  : i32 {
      %mul3A_224 = arith.constant 16 : i32
      %mul3A_225 = arith.muli %scan3A_223, %mul3A_224 : i32
      %get3A_226 = arith.index_cast %mul3A_225 : i32 to index
      %get3A_227 = tpu.vector_load %arg9[%get3A_226] {strides = array<i32>} : memref<12544xf32, #tpu.memory_space<vmem>>, vector<16xf32>,
      %get3A_228 = arith.index_cast %mul3A_225 : i32 to index
      %get3A_229 = tpu.vector_load %arg10[%get3A_228] {strides = array<i32>} : memref<12544xf32, #tpu.memory_space<vmem>>, vector<16xf32>,
      %get3A_230 = arith.index_cast %mul3A_225 : i32 to index
      %get3A_231 = tpu.vector_load %arg11[%get3A_230] {strides = array<i32>} : memref<12544xf32, #tpu.memory_space<vmem>>, vector<16xf32>,
      %mul3A_232 = arith.mulf %get3A_227, %get3A_141 : vector<16xf32>
      %mul3A_233 = arith.mulf %get3A_229, %get3A_145 : vector<16xf32>
      %add3A_234 = arith.addf %mul3A_232, %mul3A_233 : vector<16xf32>
      %mul3A_235 = arith.mulf %get3A_231, %get3A_149 : vector<16xf32>
      %add3A_236 = arith.addf %add3A_234, %mul3A_235 : vector<16xf32>
      %add3A_237 = arith.addf %add3A_236, %get3A_153 : vector<16xf32>
      %mul3A_238 = arith.mulf %get3A_227, %get3A_157 : vector<16xf32>
      %mul3A_239 = arith.mulf %get3A_229, %get3A_161 : vector<16xf32>
      %add3A_240 = arith.addf %mul3A_238, %mul3A_239 : vector<16xf32>
      %mul3A_241 = arith.mulf %get3A_231, %get3A_165 : vector<16xf32>
      %add3A_242 = arith.addf %add3A_240, %mul3A_241 : vector<16xf32>
      %add3A_243 = arith.addf %add3A_242, %get3A_169 : vector<16xf32>
      %mul3A_244 = arith.mulf %get3A_227, %get3A_173 : vector<16xf32>
      %mul3A_245 = arith.mulf %get3A_229, %get3A_177 : vector<16xf32>
      %add3A_246 = arith.addf %mul3A_244, %mul3A_245 : vector<16xf32>
      %mul3A_247 = arith.mulf %get3A_231, %get3A_181 : vector<16xf32>
      %add3A_248 = arith.addf %add3A_246, %mul3A_247 : vector<16xf32>
      %add3A_249 = arith.addf %add3A_248, %get3A_185 : vector<16xf32>
      %add3A_250 = arith.constant 9.99999993E-9 : f32
      %add3A_251 = vector.broadcast %add3A_250 : f32 to vector<16xf32>
      %add3A_252 = arith.addf %add3A_249, %add3A_251 : vector<16xf32>
      %div3A = arith.divf %add3A_237, %add3A_252 : vector<16xf32>
      %bitcast_convert_type3A = tpu.bitcast %div3A : vector<16xf32> -> vector<16xi32>
      %shift_right_logical3A = arith.constant 16 : i32
      %shift_right_logical3A_253 = vector.broadcast %shift_right_logical3A : i32 to vector<16xi32>
      %shift_right_logical3A_254 = arith.shrui %bitcast_convert_type3A, %shift_right_logical3A_253 : vector<16xi32>
      %and3A = arith.constant 1 : i32
      %and3A_255 = vector.broadcast %and3A : i32 to vector<16xi32>
      %and3A_256 = arith.andi %shift_right_logical3A_254, %and3A_255 : vector<16xi32>
      %add3A_257 = arith.constant 32767 : i32
      %add3A_258 = vector.broadcast %add3A_257 : i32 to vector<16xi32>
      %add3A_259 = arith.addi %bitcast_convert_type3A, %add3A_258 : vector<16xi32>
      %add3A_260 = arith.addi %add3A_259, %and3A_256 : vector<16xi32>
      %and3A_261 = arith.constant -65536 : i32
      %and3A_262 = vector.broadcast %and3A_261 : i32 to vector<16xi32>
      %and3A_263 = arith.andi %add3A_260, %and3A_262 : vector<16xi32>
      %bitcast_convert_type3A_264 = tpu.bitcast %and3A_263 : vector<16xi32> -> vector<16xf32>
      %div3A_265 = arith.divf %add3A_243, %add3A_252 : vector<16xf32>
      %bitcast_convert_type3A_266 = tpu.bitcast %div3A_265 : vector<16xf32> -> vector<16xi32>
      %shift_right_logical3A_267 = arith.constant 16 : i32
      %shift_right_logical3A_268 = vector.broadcast %shift_right_logical3A_267 : i32 to vector<16xi32>
      %shift_right_logical3A_269 = arith.shrui %bitcast_convert_type3A_266, %shift_right_logical3A_268 : vector<16xi32>
      %and3A_270 = arith.constant 1 : i32
      %and3A_271 = vector.broadcast %and3A_270 : i32 to vector<16xi32>
      %and3A_272 = arith.andi %shift_right_logical3A_269, %and3A_271 : vector<16xi32>
      %add3A_273 = arith.constant 32767 : i32
      %add3A_274 = vector.broadcast %add3A_273 : i32 to vector<16xi32>
      %add3A_275 = arith.addi %bitcast_convert_type3A_266, %add3A_274 : vector<16xi32>
      %add3A_276 = arith.addi %add3A_275, %and3A_272 : vector<16xi32>
      %and3A_277 = arith.constant -65536 : i32
      %and3A_278 = vector.broadcast %and3A_277 : i32 to vector<16xi32>
      %and3A_279 = arith.andi %add3A_276, %and3A_278 : vector<16xi32>
      %bitcast_convert_type3A_280 = tpu.bitcast %and3A_279 : vector<16xi32> -> vector<16xf32>
      %mul3A_281 = arith.mulf %bitcast_convert_type3A_264, %get3A_189 : vector<16xf32>
      %mul3A_282 = arith.mulf %bitcast_convert_type3A_280, %get3A_193 : vector<16xf32>
      %add3A_283 = arith.addf %mul3A_281, %mul3A_282 : vector<16xf32>
      %add3A_284 = arith.addf %add3A_283, %get3A_197 : vector<16xf32>
      %mul3A_285 = arith.mulf %bitcast_convert_type3A_264, %get3A_201 : vector<16xf32>
      %mul3A_286 = arith.mulf %bitcast_convert_type3A_280, %get3A_205 : vector<16xf32>
      %add3A_287 = arith.addf %mul3A_285, %mul3A_286 : vector<16xf32>
      %add3A_288 = arith.addf %add3A_287, %get3A_209 : vector<16xf32>
      %ge3A = arith.constant 0.000000e+00 : f32
      %ge3A_289 = vector.broadcast %ge3A : f32 to vector<16xf32>
      %ge3A_290 = arith.cmpf oge, %add3A_284, %ge3A_289 : vector<16xf32>
      %lt3A = arith.constant 1.000000e+00 : f32
      %lt3A_291 = vector.broadcast %lt3A : f32 to vector<16xf32>
      %lt3A_292 = arith.cmpf olt, %add3A_284, %lt3A_291 : vector<16xf32>
      %and3A_293 = arith.andi %ge3A_290, %lt3A_292 : vector<16xi1>
      %ge3A_294 = arith.constant 0.000000e+00 : f32
      %ge3A_295 = vector.broadcast %ge3A_294 : f32 to vector<16xf32>
      %ge3A_296 = arith.cmpf oge, %add3A_288, %ge3A_295 : vector<16xf32>
      %and3A_297 = arith.andi %and3A_293, %ge3A_296 : vector<16xi1>
      %lt3A_298 = arith.constant 1.000000e+00 : f32
      %lt3A_299 = vector.broadcast %lt3A_298 : f32 to vector<16xf32>
      %lt3A_300 = arith.cmpf olt, %add3A_288, %lt3A_299 : vector<16xf32>
      %and3A_301 = arith.andi %and3A_297, %lt3A_300 : vector<16xi1>
      %gt3A = arith.constant 9.99999993E-9 : f32
      %gt3A_302 = vector.broadcast %gt3A : f32 to vector<16xf32>
      %gt3A_303 = arith.cmpf ogt, %add3A_249, %gt3A_302 : vector<16xf32>
      %and3A_304 = arith.andi %and3A_301, %gt3A_303 : vector<16xi1>
      %mul3A_305 = arith.constant 2.560000e+02 : f32
      %mul3A_306 = vector.broadcast %mul3A_305 : f32 to vector<16xf32>
      %mul3A_307 = arith.mulf %add3A_284, %mul3A_306 : vector<16xf32>
      %convert_element_type3A = arith.fptosi %mul3A_307 : vector<16xf32> to vector<16xi32>
      %and3A_308 = arith.constant 255 : i32
      %and3A_309 = vector.broadcast %and3A_308 : i32 to vector<16xi32>
      %and3A_310 = arith.andi %convert_element_type3A, %and3A_309 : vector<16xi32>
      %mul3A_311 = arith.constant 2.560000e+02 : f32
      %mul3A_312 = vector.broadcast %mul3A_311 : f32 to vector<16xf32>
      %mul3A_313 = arith.mulf %add3A_288, %mul3A_312 : vector<16xf32>
      %convert_element_type3A_314 = arith.fptosi %mul3A_313 : vector<16xf32> to vector<16xi32>
      %and3A_315 = arith.constant 255 : i32
      %and3A_316 = vector.broadcast %and3A_315 : i32 to vector<16xi32>
      %and3A_317 = arith.andi %convert_element_type3A_314, %and3A_316 : vector<16xi32>
      %and3A_318 = arith.constant 127 : i32
      %and3A_319 = vector.broadcast %and3A_318 : i32 to vector<16xi32>
      %and3A_320 = arith.andi %and3A_317, %and3A_319 : vector<16xi32>
      %gather3A = tpu.vector_load_idx %arg13[%and3A_320, %and3A_310] : memref<128x256xi32, #tpu.memory_space<vmem>>[vector<16xi32>, vector<16xi32>], vector<16xi32>,
      %bitcast_convert_type3A_321 = tpu.bitcast %gather3A : vector<16xi32> -> vector<16xi32>
      %ge3A_322 = arith.constant 128 : i32
      %ge3A_323 = vector.broadcast %ge3A_322 : i32 to vector<16xi32>
      %ge3A_324 = arith.cmpi sge, %and3A_317, %ge3A_323 : vector<16xi32>
      %and3A_325 = arith.constant -65536 : i32
      %and3A_326 = vector.broadcast %and3A_325 : i32 to vector<16xi32>
      %and3A_327 = arith.andi %bitcast_convert_type3A_321, %and3A_326 : vector<16xi32>
      %shift_left3A = arith.constant 16 : i32
      %shift_left3A_328 = vector.broadcast %shift_left3A : i32 to vector<16xi32>
      %shift_left3A_329 = arith.shli %bitcast_convert_type3A_321, %shift_left3A_328 : vector<16xi32>
      %select_n3A = arith.select %ge3A_324, %and3A_327, %shift_left3A_329 : vector<16xi1>, vector<16xi32>
      %bitcast_convert_type3A_330 = tpu.bitcast %select_n3A : vector<16xi32> -> vector<16xf32>
      %jit3A = arith.constant 0.000000e+00 : f32
      %broadcast_in_dim3A = vector.broadcast %jit3A : f32 to vector<16xf32>
      %select_n3A_331 = arith.select %and3A_304, %bitcast_convert_type3A_330, %broadcast_in_dim3A : vector<16xi1>, vector<16xf32>
      %mul3A_332 = arith.mulf %select_n3A_331, %get3A_213 : vector<16xf32>
      %get3A_333 = arith.index_cast %mul3A_225 : i32 to index
      %get3A_334 = tpu.vector_load %arg14[%get3A_333] {strides = array<i32>} : memref<12544xf32, #tpu.memory_space<vmem>>, vector<16xf32>,
      %add3A_335 = arith.addf %get3A_334, %mul3A_332 : vector<16xf32>
      %swap3A = arith.index_cast %mul3A_225 : i32 to index
      %swap3A_336 = tpu.vector_load %arg14[%swap3A] {strides = array<i32>} : memref<12544xf32, #tpu.memory_space<vmem>>, vector<16xf32>,
      tpu.vector_store %arg14[%swap3A], %add3A_335 {strides = array<i32>} : memref<12544xf32, #tpu.memory_space<vmem>>, vector<16xf32>,
    }
    %scan3A_219 = arith.constant 784 : i32
    %mul3A_220 = arith.constant 200704 : i32
    %mul3A_221 = arith.muli %arg0, %mul3A_220 : i32
    %add3A_222 = arith.addi %mul3A_221, %mul3A_0 : i32
    "tpu.region"() ({
      %run_scoped3A = tpu.sem_alloc : memref<!tpu.dma_semaphore, #tpu.memory_space<semaphore_mem>>
      %dma_start3A_223 = tpu.memref_slice %arg7[%add3A_222] : memref<401408xf32, #tpu.memory_space<hbm>> -> memref<12544xf32, #tpu.memory_space<hbm>>
      %dma_start3A_224 = tpu.memref_slice %arg7[%add3A_222] : memref<401408xf32, #tpu.memory_space<hbm>> -> memref<12544xf32, #tpu.memory_space<hbm>>
      tpu.enqueue_dma source(%arg14 : memref<12544xf32, #tpu.memory_space<vmem>>) target(%dma_start3A_224 : memref<12544xf32, #tpu.memory_space<hbm>>) target_semaphore(%run_scoped3A : memref<!tpu.dma_semaphore, #tpu.memory_space<semaphore_mem>>)
      %dma_wait3A_225 = tpu.memref_slice %arg7[%add3A_222] : memref<401408xf32, #tpu.memory_space<hbm>> -> memref<12544xf32, #tpu.memory_space<hbm>>
      %dma_wait3A_226 = tpu.memref_slice %arg7[%add3A_222] : memref<401408xf32, #tpu.memory_space<hbm>> -> memref<12544xf32, #tpu.memory_space<hbm>>
      tpu.wait_dma2 semaphore(%run_scoped3A : memref<!tpu.dma_semaphore, #tpu.memory_space<semaphore_mem>>) src(%arg14 : memref<12544xf32, #tpu.memory_space<vmem>>) dst(%dma_wait3A_226 : memref<12544xf32, #tpu.memory_space<hbm>>)
      tpu.yield
    }) : () -> ()
    return
  }
}

</mosaic_0001>

<sc_bundles>
// kernel: kernel.3.cloned.1.call-start
scs
__scs_entry_jumppad:
0x0: {  	(pc) =	sbr.rel $0x88, $3  }
0x1: {  	(tag) =	ssettag $0x0;
	lr =	simm.s32 $0x1  }
0x2: {  	[smem:$0x3F9C] =	sst lr;
	_ =	strace $0xD0000000  }
0x3: {  	_ = 	snop  }
0x4: {  	_ = 	snop  }
0x5: {  	_ = 	snop  }
0x6: {  	_ = 	snop  }
0x7: {  	_ = 	snop  }
__scs_overlays_trampoline_lowered:
0x8: {  	[smem:$0x3FAB] =	sst s0  }
0x9: {  	[smem:$0x3FAC] =	sst s1  }
0xa: {  	[smem:$0x3FAD] =	sst s2  }
0xb: {  	[smem:$0x3FAE] =	sst s3  }
0xc: {  	[smem:$0x3FAF] =	sst s4  }
0xd: {  	[smem:$0x3FB0] =	sst s5  }
0xe: {  	[smem:$0x3FB1] =	sst s6  }
0xf: {  	[smem:$0x3FB2] =	sst s7  }
0x10: {  	[smem:$0x3FB3] =	sst s8  }
0x11: {  	[smem:$0x3FB4] =	sst s9;
	s0 =	simm.s32 @!p0 $0x0  }
0x12: {  	s1 =	sld [smem:$0x3F9A];
	s0 =	simm.s32 @p0 $0x1  }
0x13: {  	[smem:$0x3FB5] =	sst s0;
	s0 =	simm.s32 @!p1 $0x0  }
0x14: {  	s2 =	sld [smem:$0x3F99];
	s0 =	simm.s32 @p1 $0x1  }
0x15: {  	[smem:$0x3FB6] =	sst s0;
	s0 =	simm.s32 @!p2 $0x0  }
0x16: {  	s3 =	sld [smem:$0x3FDB];
	s0 =	simm.s32 @p2 $0x1  }
0x17: {  	s4 =	simm.s32 $0x1BF5;
	[smem:$0x3FB8] =	sst s0  }
0x18: {  	s0 =	sld [smem:$0x3F9B];
	_ =	swait.ge [sflag:s4], $0x0  }
0x19: {  	s7 =	sld [smem:$0x3F9C]  }
0x1a: {  	s8 =	sadd.s32 $0xFFFFE003, lr  }
0x1b: {  	s9 =	sadd.s32 $0xFFFFFEF7, lr;
	s5 =	simm.s32 $0xFFFFFFFF;
	p2 =	slt.u32 s8, $0xFFFFF086  }
0x1c: {  	p1 =	slt.u32 s9, $0xF7A;
	s5 =	simm.s32 @!p2 $0x0  }
0x1d: {  	s5 =	simm.s32 @p1 $0x1;
	p0 =	seq.s32 s7, s2  }
0x1e: {  	s7 =	smul.u32 @!p0 $0xF7A, s2;
	p2 =	seq.s32 @!p0 s5, $0x0  }
0x1f: {  	s9 =	smul.u32 $0xF7A, s1;
	s8 =	simm.s32 @!p0 $0x1BF5;
	p2 =	por !p2, p0  }
0x20: {  	[sflag:s8] =	ssyncset.s32 @!p0 $0xFFFFF086;
	s6 =	sadd.s32 @!p0 s3, s7;
	s7 =	simm.s32 @!p0 $0x108  }
0x21: {  	s3 =	sadd.s32 s3, s9;
	s6 =	sadd.s32 @!p0 $0x88, s6;
	s7 =	simm.s32 @p2 $0x1082  }
0x22: {  	[simem:s7], [sflag:s8] =	dma.local @!p0 [hbm:s6], $0xF7A  }
0x23: {  	s9 =	sor.u32 $0xD0000000, s2;
	s6 =	simm.s32 $0x108;
	_ =	swait.ge @!p0 [sflag:s8], $0x0  }
0x24: {  	s3 =	sadd.s32 $0x88, s3;
	s6 =	simm.s32 @!p1 $0x1082;
	[sflag:s4] =	ssyncset.s32 $0xFFFFF086  }
0x25: {  	[simem:s6], [sflag:s4] =	dma.local [hbm:s3], $0xF7A  }
0x26: {  	[smem:$0x3F9C] =	sst s1;
	(tag) =	ssettag s2;
	_ =	strace s9  }
0x27: {  	s1 =	sld [smem:$0x3FAC]  }
0x28: {  	s2 =	sld [smem:$0x3FAD]  }
0x29: {  	s4 =	sld [smem:$0x3FAF]  }
0x2a: {  	p0 =	seq.s32 s5, $0x0;
	s5 =	sld [smem:$0x3FB0]  }
0x2b: {  	s6 =	sld [smem:$0x3FB1]  }
0x2c: {  	s7 =	sld [smem:$0x3FB2]  }
0x2d: {  	s3 =	simm.s32 $0x108;
	s8 =	sld [smem:$0x3FB3]  }
0x2e: {  	s3 =	simm.s32 @!p0 $0x1082;
	s9 =	sld [smem:$0x3FB4]  }
0x2f: {  	lr =	sadd.s32 s0, s3;
	s0 =	sld [smem:$0x3FAB]  }
0x30: {  	s3 =	sld [smem:$0x3FAE]  }
0x31: {  	[smem:$0x3FB7] =	sst s10  }
0x32: {  	s10 =	sld [smem:$0x3FB5];
	_ =	sdelay $0x3  }
0x33: {  	p0 =	seq.s32 s10, $0x1;
	s10 =	sld [smem:$0x3FB7];
	_ =	sdelay $0x3  }
0x34: {  	[smem:$0x3FB7] =	sst s10  }
0x35: {  	s10 =	sld [smem:$0x3FB6];
	_ =	sdelay $0x3  }
0x36: {  	p1 =	seq.s32 s10, $0x1;
	s10 =	sld [smem:$0x3FB7];
	_ =	sdelay $0x3  }
0x37: {  	[smem:$0x3FB7] =	sst s10  }
0x38: {  	s10 =	sld [smem:$0x3FB8]  }
0x39: {  	_ = 	snop;
	(pc) =	sbr.ind lr, $3  }
0x3a: {  	_ = 	snop  }
0x3b: {  	_ = 	snop  }
0x3c: {  	p2 =	seq.s32 s10, $0x1;
	s10 =	sld [smem:$0x3FB7]  }
0x3d: {  	_ =	shalt  }
0x3e: {  	_ =	shalt  }
0x3f: {  	_ =	shalt  }
0x40: {  	_ =	shalt  }
0x41: {  	_ =	shalt  }
0x42: {  	_ =	shalt  }
0x43: {  	_ =	shalt  }
0x44: {  	_ =	shalt  }
0x45: {  	_ =	shalt  }
0x46: {  	_ =	shalt  }
0x47: {  	_ =	shalt  }
0x48: {  	_ =	shalt  }
0x49: {  	_ =	shalt  }
0x4a: {  	_ =	shalt  }
0x4b: {  	_ =	shalt  }
0x4c: {  	_ =	shalt  }
0x4d: {  	_ =	shalt  }
0x4e: {  	_ =	shalt  }
0x4f: {  	_ =	shalt  }
0x50: {  	_ =	shalt  }
0x51: {  	_ =	shalt  }
0x52: {  	_ =	shalt  }
0x53: {  	_ =	shalt  }
0x54: {  	_ =	shalt  }
0x55: {  	_ =	shalt  }
0x56: {  	_ =	shalt  }
0x57: {  	_ =	shalt  }
0x58: {  	_ =	shalt  }
0x59: {  	_ =	shalt  }
0x5a: {  	_ =	shalt  }
0x5b: {  	_ =	shalt  }
0x5c: {  	_ =	shalt  }
0x5d: {  	_ =	shalt  }
0x5e: {  	_ =	shalt  }
0x5f: {  	_ =	shalt  }
0x60: {  	_ =	shalt  }
0x61: {  	_ =	shalt  }
0x62: {  	_ =	shalt  }
0x63: {  	_ =	shalt  }
0x64: {  	_ =	shalt  }
0x65: {  	_ =	shalt  }
0x66: {  	_ =	shalt  }
0x67: {  	_ =	shalt  }
0x68: {  	_ =	shalt  }
0x69: {  	_ =	shalt  }
0x6a: {  	_ =	shalt  }
0x6b: {  	_ =	shalt  }
0x6c: {  	_ =	shalt  }
0x6d: {  	_ =	shalt  }
0x6e: {  	_ =	shalt  }
0x6f: {  	_ =	shalt  }
0x70: {  	_ =	shalt  }
0x71: {  	_ =	shalt  }
0x72: {  	_ =	shalt  }
0x73: {  	_ =	shalt  }
0x74: {  	_ =	shalt  }
0x75: {  	_ =	shalt  }
0x76: {  	_ =	shalt  }
0x77: {  	_ =	shalt  }
0x78: {  	_ =	shalt  }
0x79: {  	_ =	shalt  }
0x7a: {  	_ =	shalt  }
0x7b: {  	_ =	shalt  }
0x7c: {  	_ =	shalt  }
0x7d: {  	_ =	shalt  }
0x7e: {  	_ =	shalt  }
0x7f: {  	_ =	shalt  }
0x80: {  	_ =	shalt  }
0x81: {  	_ =	shalt  }
0x82: {  	_ =	shalt  }
0x83: {  	_ =	shalt  }
0x84: {  	_ =	shalt  }
0x85: {  	_ =	shalt  }
0x86: {  	_ =	shalt  }
0x87: {  	_ =	shalt  }
.Lfunc_end0:
.L_simem_size_0:
called_computation_lowered:
.L_overlay_start_0:
0x88: {  	s2 =	sld [smem:$0x3FD9]  }
0x89: {  	s3 =	sld [smem:$0x3FFE];
	_ =	sdelay $0x1  }
0x8a: {  	s1 =	srdreg.scid  }
0x8b: {  	s0 =	sand.u32 $0x1, s1  }
0x8c: {  	s17 =	sshll.u32 s0, $0xA;
	s2 =	sadd.s32 s3, s2  }
0x8d: {  	s2 =	sadd.s32 s2, s17  }
0x8e: {  	[smem:$0x3FC3] =	sst s2  }
0x8f: {  	_ = 	snop  }
0x90: {  	s2 =	sld [smem:$0x3FD0];
	(tm) =	ssettm $0x1  }
0x91: {  	s18 =	sld [smem:$0x3FFB];
	_ =	sdelay $0x3  }
0x92: {  	_ =	strace s18  }
0x93: {  	s3 =	sld [smem:$0x3FFC];
	_ =	sdelay $0x3  }
0x94: {  	_ =	strace s3  }
0x95: {  	s3 =	sld [smem:$0x3FFD];
	_ =	sdelay $0x3  }
0x96: {  	_ =	strace s3  }
0x97: {  	_ =	strace $0x8FFFFFFF  }
0x98: {  	s19 =	sld [smem:$0x3FDB];
	_ =	sdelay $0x1  }
0x99: {  	s4 =	simm.s32 $_scs_section_size  }
0x9a: {  	s5 =	simm.s32 $_size__tile_overlayer_lowered;
	s6 =	simm.s32 $_tile_overlayer_lowered  }
0x9b: {  	s22 =	simm.s32 $0x1BFF;
	s21 =	sshll.u32 s6, $0x1;
	s3 =	sadd.s32 s4, s19  }
0x9c: {  	s7 =	simm.s32 $0x0;
	s20 =	sshll.u32 s5, $0x1;
	s5 =	sadd.s32 s21, s3  }
0x9d: {  	[timem:s7], [sflag:s22] =	dma.local [hbm:s5], s20  }
0x9e: {  	_ =	swait.ge [sflag:s22], s20  }
0x9f: {  	s4 =	ssub.s32 $0x0, s20;
	[sflag:s22] =	ssyncset.done $0x0  }
0xa0: {  	[sflag:s22] =	ssyncadd.s32 s4;
	_ =	sdelay $0x1  }
0xa1: {  	s23 =	simm.s32 $0x1B8B  }
0xa2: {  	_ =	swait.ge [sflag:s23], $0x1  }
0xa3: {  	[sflag:s23] =	ssyncset.done $0x0  }
0xa4: {  	s25 =	simm.s32 $0x1B8E;
	s24 =	sld [smem:$0x3FFE];
	[sflag:s23] =	ssyncadd.s32 $0xFFFFFFFF  }
0xa5: {  	s26 =	simm.s32 $execute0_lowered;
	[smem:$0x3FD2] =	sst s25  }
0xa6: {  	s5 =	sshll.u32 s26, $0x1;
	_ =	strace $0x80000046;
	[dreg:$0x1] =	wrdreg $0xFFFFFFFF  }
0xa7: {  	s28 =	simm.s32 $_size_execute0_lowered;
	s3 =	sadd.s32 s3, s5;
	[dreg:$0x0] =	wrdreg $0x0  }
0xa8: {  	s5 =	sshll.u32 s28, $0x1;
	[dreg:$0x2] =	wrdreg s3  }
0xa9: {  	[dreg:$0x3] =	wrdreg s5  }
0xaa: {  	[dreg:$0x4] =	wrdreg $0xC0  }
0xab: {  	_ =	task [dreg:s7], $0x5FFFF  }
0xac: {  	[dreg:$0x1] =	wrdreg $0xFFFFFFFF  }
0xad: {  	[dreg:$0x0] =	wrdreg $0x60  }
0xae: {  	[dreg:$0x2] =	wrdreg s24  }
0xaf: {  	[dreg:$0x3] =	wrdreg s2  }
0xb0: {  	[dreg:$0x4] =	wrdreg $0x9  }
0xb1: {  	_ =	task.clear_ibuf [dreg:s7], $0x5FFFF;
	_ =	strace $0x90000046  }
0xb2: {  	s29 =	simm.s32 $0x9;
	_ =	strace $0x80000048  }
0xb3: {  	_ =	swait.ge [sflag:s29], $0x1  }
0xb4: {  	[sflag:s29] =	ssyncadd.s32 $0xFFFFFFFF  }
0xb5: {  	_ =	strace $0x90000048  }
0xb6: {  	_ =	sfence  }
0xb7: {  	s30 =	sld [smem:$0x0];
	_ =	sdelay $0x2  }
0xb8: {  	s31 =	sshll.u32 s1, $0xD;
	s1 =	sshrl.u32 s1, $0x2  }
0xb9: {  	s3 =	sand.u32 $0x4000, s31;
	s1 =	sadd.s32 s1, s30  }
0xba: {  	s0 =	sor.u32 s3, s0;
	s1 =	sshll.u32 s1, $0x11  }
0xbb: {  	s0 =	sor.u32 s1, s0  }
0xbc: {  	s0 =	sadd.s32 $0x8F2B, s0  }
0xbd: {  	[sflag:s0] =	ssyncadd.remote.s32 $0x1  }
0xbe: {  	_ =	sfence.sel $0xFFFF  }
0xbf: {  	[dreg:$0x0] =	wrdreg $0xFFFFFFFF;
	(pc) =	sbr.abs _section_cstart, $3  }
0xc0: {  	[dreg:$0x1] =	wrdreg $0xFFFFFFFF  }
0xc1: {  	_ =	task.clear_ibuf [dreg:s7], $0x2FFFF;
	_ =	strace $0x9FFFFFFF  }
0xc2: {  	(tm) =	ssettm $0x7FFFFFFF  }
0xc3: {  	_ =	shalt  }
tec
execute0_lowered:
.L_overlay_start_1:
0x0: {  	(tag) =	ssettag $0x1  }
0x1: {  	s2 =	rddreg [dreg:$0x0]  }
0x2: {  	s7 =	rddreg [dreg:$0x1]  }
0x3: {  	s0 =	rddreg [dreg:$0x2]  }
0x4: {  	s1 =	stileid.u32;
	s4 =	srdreg.scid;
	s3 =	simm.s32 $0x0  }
0x5: {  	s16 =	simm.s32 $0x66C0;
	s17 =	simm.s32 $0x4;
	s18 =	simm.s32 $0x3  }
0x6: {  	s19 =	simm.s32 $0x1;
	s20 =	simm.s32 $0x117C0;
	s21 =	simm.s32 $0x2  }
0x7: {  	s22 =	simm.s32 $0x197C0;
	s23 =	simm.s32 $0x0;
	s5 =	smul.u32 $0x3100, s1  }
0x8: {  	s6 =	sand.u32 $0x1, s4;
	[smem:$0x7FF] =	sst s3;
	s10 =	sadd.s32 $0xC600, s2  }
0x9: {  	s4 =	smul.u32 $0x31000, s6;
	_ =	strace $0x80000047;
	s29 =	ssub.s32 $0x2, s6  }
0xa: {  	s30 =	sshll.u32 s6, $0xD;
	s31 =	sshllo.u32 s6, $0x1;
	s14 =	smul.u32 $0x980, s6  }
0xb: {  	s8 =	sshrl.u32 s5, $0x3;
	s11 =	sshrl.u32 s29, $0x1;
	s15 =	sshll.u32 s31, $0xC  }
0xc: {  	s9 =	sadd.s32 s8, s2;
	s4 =	sadd.s32 s5, s4;
	s13 =	ssub.s32 s29, s11  }
0xd: {  	s11 =	smul.u32 $0x4C0, s31;
	s7 =	sadd.s32 s7, s8;
	s8 =	sadd.s32 s10, s15  }
0xe: {  	s15 =	simm.s32 $0x35C0;
	s4 =	sshrl.u32 s4, $0x3;
	s5 =	sadd.s32 $0x6400, s9  }
0xf: {  	s6 =	sadd.s32 $0x200, s9;
	s9 =	sshrl.u32 s14, $0x2;
	s14 =	simm.s32 $0x4C0  }
0x10: {  	s12 =	sadd.s32 s4, s2;
	s4 =	sadd.s32 s10, s30;
	s10 =	sshrl.u32 s11, $0x2  }
0x11: {  	s11 =	sadd.s32 $0x10600, s12;
	s12 =	smax.u32 s13, $0x1;
	s13 =	simm.s32 $0x97C0  }
.LBB2_1:
0x12: {  	[tilespmem:s13], [sflag:$0x1] =	stream.linear.gather [hbm4b:s4+s3], $0x8000, $0x38;
	[tilespmem:$0x1C8C0] =	vst v63  }
0x13: {  	_ = 	snop  }
0x14: {  	[tilespmem:s14], [sflag:$0x3] =	stream.linear.gather [hbm4b:s5+s3], $0x3100, $0x38;
	[tilespmem:$0x1C8C0] =	vst v63  }
0x15: {  	_ = 	snop  }
0x16: {  	[tilespmem:s15], [sflag:$0x3] =	stream.linear.gather [hbm4b:s6+s3], $0x3100, $0x38;
	[tilespmem:$0x1C8C0] =	vst v63  }
0x17: {  	_ = 	snop  }
0x18: {  	[tilespmem:s16], [sflag:$0x3] =	stream.linear.gather [hbm4b:s7+s3], $0x3100, $0x38;
	[tilespmem:$0x1C8C0] =	vst v63  }
0x19: {  	_ = 	snop  }
0x1a: {  	[tilespmem:s3], [sflag:$0x4] =	stream.linear.gather [hbm4b:s2+s3], $0x4C0, $0x38;
	[tilespmem:$0x1C8C0] =	vst v63  }
0x1b: {  	_ =	swait.ge [sflag:s17], $0x4C0  }
0x1c: {  	[sflag:s17] =	ssyncset.done $0x0  }
0x1d: {  	[sflag:s17] =	ssyncadd.s32 $0xFFFFFB40  }
0x1e: {  	_ =	swait.ge [sflag:s18], $0x3100  }
0x1f: {  	[sflag:s18] =	ssyncset.done $0x0  }
0x20: {  	[sflag:s18] =	ssyncadd.s32 $0xFFFFCF00  }
0x21: {  	_ =	swait.ge [sflag:s18], $0x3100  }
0x22: {  	[sflag:s18] =	ssyncset.done $0x0  }
0x23: {  	[sflag:s18] =	ssyncadd.s32 $0xFFFFCF00  }
0x24: {  	_ =	swait.ge [sflag:s18], $0x3100  }
0x25: {  	[sflag:s18] =	ssyncset.done $0x0  }
0x26: {  	[sflag:s18] =	ssyncadd.s32 $0xFFFFCF00  }
0x27: {  	_ =	swait.ge [sflag:s19], $0x8000  }
0x28: {  	[sflag:s19] =	ssyncset.done $0x0  }
0x29: {  	[sflag:s19] =	ssyncadd.s32 $0xFFFF8000  }
0x2a: {  	[tilespmem:s20], [sflag:$0x2] =	stream.linear.gather [hbm4b:s8+s3], $0x8000, $0x38;
	[tilespmem:$0x1C8C0] =	vst v63  }
0x2b: {  	v16 =	vld [tilespmem:s9+$0x80]  }
0x2c: {  	s25 =	simm.s32 $0x0;
	v17 =	vld [tilespmem:s9+$0x90]  }
0x2d: {  	v0 =	vld [tilespmem:s25+$0x4C0]  }
0x2e: {  	v1 =	vld [tilespmem:s25+$0x35C0]  }
0x2f: {  	v19 =	vld [tilespmem:s9+$0xA0]  }
0x30: {  	v2 =	vld [tilespmem:s25+$0x66C0];
	_ =	sdelay $0x2  }
0x31: {  	v3 =	vmul.f32 v0, v16;
	v4 =	vmul.f32 v1, v17  }
0x32: {  	v15 =	vld [tilespmem:s9+$0xB0]  }
0x33: {  	v5 =	vmul.f32 v2, v19;
	v3 =	vadd.f32 v4, v3;
	_ =	sdelay $0x1  }
0x34: {  	v18 =	vld [tilespmem:s9+$0x0];
	v3 =	vadd.f32 v5, v3  }
0x35: {  	v14 =	vld [tilespmem:s9+$0x10]  }
0x36: {  	v12 =	vld [tilespmem:s9+$0x50];
	v13 =	vadd.f32 v3, v15  }
0x37: {  	v11 =	vld [tilespmem:s9+$0x40]  }
0x38: {  	v20 =	vld [tilespmem:s9+$0x20];
	v3 =	vadd.f32 $9.999999930e-09, v13  }
0x39: {  	v10 =	vld [tilespmem:s9+$0x60]  }
0x3a: {  	(erf) = vrcp.f32 v3  }
0x3b: {  	v6 =	vld [tilespmem:s9+$0x30];
	v4 =	vmul.f32 v1, v14;
	v1 =	vmul.f32 v1, v12  }
0x3c: {  	s24 =	simm.s32 $0x10;
	v7 =	vld [tilespmem:s9+$0x70];
	v3 =	vmul.f32 v0, v18;
	v0 =	vmul.f32 v0, v11  }
0x3d: {  	v24 =	vld [tilespmem:s24+$0x4C0];
	v5 =	vmul.f32 v2, v20  }
0x3e: {  	v25 =	vld [tilespmem:s24+$0x35C0];
	v2 =	vmul.f32 v2, v10;
	v3 =	vadd.f32 v4, v3;
	v0 =	vadd.f32 v1, v0;
	_ =	sdelay $0x1  }
0x3f: {  	v26 =	vld [tilespmem:s24+$0x66C0];
	v1 =	vadd.f32 v5, v3;
	v0 =	vadd.f32 v2, v0;
	_ =	sdelay $0x1  }
0x40: {  	v2 =	vadd.f32 v1, v6;
	v0 =	vadd.f32 v0, v7  }
0x41: {  	v4 =	vmul.f32 v24, v16;
	v5 =	vmul.f32 v25, v17;
	v3 =	vpop (erf)  }
0x42: {  	v1 =	vld [tilespmem:s9+$0xC0];
	v2 =	vmul.f32 v3, v2;
	v0 =	vmul.f32 v3, v0  }
0x43: {  	v8 =	vmul.f32 v26, v19;
	v9 =	vadd.f32 v5, v4;
	v5 =	vld [tilespmem:s9+$0x100]  }
0x44: {  	v3 =	vld [tilespmem:s9+$0xF0];
	v21 =	vshrl.u32 v2, $0x10;
	v22 =	vshrl.u32 v0, $0x10  }
0x45: {  	v4 =	vld [tilespmem:s9+$0xD0];
	v8 =	vadd.f32 v8, v9;
	v9 =	vand.u32 $0x1, v21;
	v21 =	vand.u32 $0x1, v22  }
0x46: {  	v2 =	vadd.s32 v9, v2;
	v9 =	vadd.s32 v21, v0  }
0x47: {  	v2 =	vadd.s32 $0x7FFF, v2;
	v9 =	vadd.s32 $0x7FFF, v9  }
0x48: {  	v0 =	vadd.f32 v8, v15;
	v8 =	vld [tilespmem:s9+$0x110];
	v2 =	vand.u32 $0xFFFF0000, v2;
	v21 =	vand.u32 $0xFFFF0000, v9  }
0x49: {  	v9 =	vld [tilespmem:s9+$0xE0];
	v23 =	vmul.f32 v2, v3;
	v27 =	vmul.f32 v21, v5  }
0x4a: {  	v22 =	vadd.f32 $9.999999930e-09, v0;
	v2 =	vmul.f32 v2, v1;
	v21 =	vmul.f32 v21, v4  }
0x4b: {  	s26 =	simm.s32 $0x20;
	v28 =	vmul.f32 v24, v18  }
0x4c: {  	(erf) = vrcp.f32 v22;
	v22 =	vld [tilespmem:s26+$0x4C0];
	v27 =	vadd.f32 v27, v23;
	v2 =	vadd.f32 v21, v2  }
0x4d: {  	v30 =	vmul.f32 v25, v14;
	v31 =	vmul.f32 v25, v12  }
0x4e: {  	v23 =	vld [tilespmem:s26+$0x35C0];
	v21 =	vadd.f32 v27, v8;
	v27 =	vmul.f32 v24, v11;
	v25 =	vadd.f32 v2, v9  }
0x4f: {  	v29 =	vmul.f32 v26, v20;
	v26 =	vmul.f32 v26, v10;
	v24 =	vld [tilespmem:s26+$0x66C0];
	v2 =	vadd.f32 v30, v28  }
0x50: {  	v28 =	vmul.f32 $2.560000000e+02, v21;
	v27 =	vadd.f32 v31, v27;
	v30 =	vmul.f32 $2.560000000e+02, v25  }
0x51: {  	v32 =	vmul.f32 v22, v16;
	v2 =	vadd.f32 v29, v2  }
0x52: {  	v28 =	vtrunc.f32 v28;
	v33 =	vadd.f32 v26, v27;
	v27 =	vtrunc.f32 v30  }
0x53: {  	v31 =	vmul.f32 v23, v17;
	v26 =	vcvt.f32.s32 v28  }
0x54: {  	v30 =	vadd.f32 v2, v6;
	v28 =	vmul.f32 v24, v19;
	v29 =	vcvt.f32.s32 v27  }
0x55: {  	s28 =	simm.s32 $0xC0;
	v2 =	vld [tilespmem:s9+$0x120];
	v31 =	vadd.f32 v31, v32;
	v32 =	vadd.f32 v33, v7;
	v27 =	vpop (erf);
	v33 =	vshll.u32 v26, $0x8  }
.LBB2_2:
0x56: {  	p0 =	sne.s32 s28, $0xC3C0;
	v30 =	vmul.f32 v27, v30;
	v33 =	vand.u32 $0x7F00, v33;
	v29 =	vand.u32 $0xFF, v29  }
0x57: {  	v28 =	vadd.f32 v28, v31;
	v27 =	vmul.f32 v27, v32;
	v29 =	vor.u32 v29, v33  }
0x58: {  	v31 =	vmul.f32 v22, v18;
	v32 =	vmul.f32 v24, v20;
	v33 =	vshrl.u32 v30, $0x10  }
0x59: {  	v28 =	vadd.f32 v28, v15;
	v33 =	vand.u32 $0x1, v33;
	v34 =	vshrl.u32 v27, $0x10  }
0x5a: {  	v35 =	vmul.f32 v23, v14;
	v30 =	vadd.s32 v33, v30;
	v33 =	vand.u32 $0x1, v34  }
0x5b: {  	v34 =	vadd.f32 $9.999999930e-09, v28;
	v30 =	vadd.s32 $0x7FFF, v30;
	v27 =	vadd.s32 v33, v27  }
0x5c: {  	vm0 =	vgt.f32 v13, $9.999999930e-09;
	v13 =	vmovc v0;
	v0 =	vmovc v28;
	v30 =	vand.u32 $0xFFFF0000, v30;
	v27 =	vadd.s32 $0x7FFF, v27;
	v29 =	vld.idx.msk [tilespmem:v29+s13+$0x0], $0xffff  }
0x5d: {  	(erf) = vrcp.f32 v34;
	v27 =	vand.u32 $0xFFFF0000, v27;
	v28 =	vmul.f32 v30, v1  }
0x5e: {  	vm1 =	vge.f32 v25, $0.0e+00;
	vm2 =	vge.f32 v21, $0.0e+00;
	v30 =	vmul.f32 v30, v3  }
0x5f: {  	vm3 =	vlt.f32 v25, $1.000000000e+00;
	vm1 =	vmand vm1, vm2;
	v33 =	vmul.f32 v27, v5  }
0x60: {  	vm2 =	vlt.f32 v21, $1.000000000e+00;
	vm1 =	vmand vm1, vm3;
	v25 =	vmul.f32 v27, v4  }
0x61: {  	s29 =	sshra.s32 s28, $0x2;
	v26 =	vand.u32 $0x80, v26;
	vm1 =	vmand vm2, vm1;
	v21 =	vadd.f32 v33, v30  }
0x62: {  	vm2 =	veq.s32 v26, $0x0;
	v26 =	vand.u32 $0xFFFF0000, v29;
	v27 =	vshll.u32 v29, $0x10;
	v30 =	vld [tilespmem:s29+$0x4C0]  }
0x63: {  	vm0 =	vmand vm0, vm1;
	v25 =	vadd.f32 v25, v28;
	v26 =	vsel vm2, v27, v26;
	v29 =	vld [tilespmem:s29+$0x35C0]  }
0x64: {  	v37 =	vmul.f32 v22, v11;
	v21 =	vadd.f32 v21, v8;
	v26 =	vnsel vm0, $0x0, v26  }
0x65: {  	v38 =	vmul.f32 v23, v12;
	v25 =	vadd.f32 v25, v9;
	v26 =	vmul.f32 v26, v2;
	v33 =	vld [tilespmem:s29+$0x66C0]  }
0x66: {  	v24 =	vmul.f32 v24, v10;
	v28 =	vadd.f32 v35, v31;
	v31 =	vmul.f32 $2.560000000e+02, v21;
	v27 =	vpop (erf)  }
.Ltmp0:
0x67: {  	v35 =	vadd.f32 v38, v37;
	v36 =	vmul.f32 $2.560000000e+02, v25;
	v34 =	vmul.f32 v30, v16;
	[tilespmem:s25+$0x197C0] =	vst v26;
	v22 =	vmovc v30;
	s25 =	smov.u32 s24;
	s24 =	smov.u32 s26;
	(pc) =	sbr.rel @p0 .LBB2_2-.Ltmp0, $4  }
0x68: {  	v30 =	vadd.f32 v32, v28;
	v26 =	vtrunc.f32 v31;
	s26 =	smov.u32 s29;
	v37 =	vmul.f32 v29, v17;
	v23 =	vmovc v29  }
0x69: {  	v32 =	vadd.f32 v24, v35;
	v31 =	vtrunc.f32 v36;
	v26 =	vcvt.f32.s32 v26  }
0x6a: {  	v29 =	vcvt.f32.s32 v31;
	v30 =	vadd.f32 v30, v6;
	v28 =	vmul.f32 v33, v19;
	v24 =	vmovc v33  }
0x6b: {  	s28 =	sadd.s32 $0x40, s28;
	v32 =	vadd.f32 v32, v7;
	v31 =	vadd.f32 v37, v34;
	v33 =	vshll.u32 v26, $0x8  }
0x6c: {  	v16 =	vmul.f32 v27, v30  }
0x6d: {  	v17 =	vand.u32 $0x7F00, v33;
	v19 =	vand.u32 $0xFF, v29;
	v18 =	vmul.f32 v22, v18  }
0x6e: {  	v20 =	vmul.f32 v24, v20;
	v14 =	vmul.f32 v23, v14;
	v28 =	vadd.f32 v28, v31  }
0x6f: {  	vm0 =	vgt.f32 v13, $9.999999930e-09;
	vm1 =	vge.f32 v25, $0.0e+00;
	v27 =	vmul.f32 v27, v32  }
0x70: {  	v17 =	vor.u32 v19, v17;
	v19 =	vshrl.u32 v16, $0x10;
	v15 =	vadd.f32 v28, v15  }
0x71: {  	vm2 =	vge.f32 v21, $0.0e+00;
	v19 =	vand.u32 $0x1, v19;
	v28 =	vshrl.u32 v27, $0x10  }
0x72: {  	v16 =	vadd.s32 v19, v16;
	v19 =	vand.u32 $0x1, v28;
	v28 =	vadd.f32 $9.999999930e-09, v15  }
0x73: {  	vm3 =	vlt.f32 v25, $1.000000000e+00;
	v11 =	vmul.f32 v22, v11;
	v12 =	vmul.f32 v23, v12  }
0x74: {  	v16 =	vadd.s32 $0x7FFF, v16;
	v19 =	vadd.s32 v19, v27;
	(erf) = vrcp.f32 v28  }
0x75: {  	v10 =	vmul.f32 v24, v10;
	v16 =	vand.u32 $0xFFFF0000, v16;
	v19 =	vadd.s32 $0x7FFF, v19  }
0x76: {  	v13 =	vand.u32 $0xFFFF0000, v19;
	v19 =	vmul.f32 v16, v1;
	v16 =	vmul.f32 v16, v3  }
0x77: {  	vm14 =	vlt.f32 v21, $1.000000000e+00;
	v22 =	vmul.f32 v13, v5;
	v13 =	vmul.f32 v13, v4  }
0x78: {  	vm1 =	vmand vm1, vm2;
	v14 =	vadd.f32 v14, v18;
	v11 =	vadd.f32 v12, v11;
	v17 =	vld.idx.msk [tilespmem:v17+s13+$0x0], $0xffff  }
0x79: {  	vm1 =	vmand vm1, vm3;
	v12 =	vadd.f32 v22, v16;
	v13 =	vadd.f32 v13, v19  }
0x7a: {  	v14 =	vadd.f32 v20, v14;
	v10 =	vadd.f32 v10, v11;
	v11 =	vand.u32 $0x80, v26  }
0x7b: {  	vm1 =	vmand vm14, vm1;
	v12 =	vadd.f32 v12, v8;
	v13 =	vadd.f32 v13, v9  }
0x7c: {  	vm15 =	veq.s32 v11, $0x0;
	v6 =	vadd.f32 v14, v6;
	v7 =	vadd.f32 v10, v7  }
0x7d: {  	v10 =	vand.u32 $0xFFFF0000, v17;
	v14 =	vmul.f32 $2.560000000e+02, v12;
	v16 =	vmul.f32 $2.560000000e+02, v13;
	v11 =	vpop (erf)  }
0x7e: {  	v17 =	vshll.u32 v17, $0x10;
	v6 =	vmul.f32 v11, v6;
	v7 =	vmul.f32 v11, v7  }
0x7f: {  	vm0 =	vmand vm0, vm1;
	v10 =	vsel vm15, v17, v10;
	v11 =	vtrunc.f32 v14  }
0x80: {  	v14 =	vtrunc.f32 v16;
	v16 =	vshrl.u32 v6, $0x10;
	v17 =	vshrl.u32 v7, $0x10  }
0x81: {  	v14 =	vcvt.f32.s32 v14;
	v16 =	vand.u32 $0x1, v16;
	v17 =	vand.u32 $0x1, v17  }
0x82: {  	v11 =	vcvt.f32.s32 v11;
	v6 =	vadd.s32 v16, v6;
	v7 =	vadd.s32 v17, v7  }
0x83: {  	v14 =	vand.u32 $0xFF, v14;
	v6 =	vadd.s32 $0x7FFF, v6;
	v7 =	vadd.s32 $0x7FFF, v7  }
0x84: {  	v16 =	vshll.u32 v11, $0x8;
	v6 =	vand.u32 $0xFFFF0000, v6;
	v7 =	vand.u32 $0xFFFF0000, v7  }
0x85: {  	v16 =	vand.u32 $0x7F00, v16;
	v3 =	vmul.f32 v6, v3;
	v5 =	vmul.f32 v7, v5  }
0x86: {  	v14 =	vor.u32 v14, v16;
	v1 =	vmul.f32 v6, v1;
	v4 =	vmul.f32 v7, v4  }
0x87: {  	v6 =	vnsel vm0, $0x0, v10;
	v3 =	vadd.f32 v5, v3  }
0x88: {  	v5 =	vmul.f32 v6, v2;
	v1 =	vadd.f32 v4, v1  }
0x89: {  	v3 =	vadd.f32 v3, v8  }
0x8a: {  	[tilespmem:s25+$0x197C0] =	vst v5;
	v1 =	vadd.f32 v1, v9  }
0x8b: {  	vm7 =	vgt.f32 v0, $9.999999930e-09;
	vm4 =	vge.f32 v13, $0.0e+00;
	v4 =	vld.idx.msk [tilespmem:v14+s13+$0x0], $0xffff;
	v5 =	vmul.f32 $2.560000000e+02, v3  }
0x8c: {  	vm5 =	vge.f32 v12, $0.0e+00;
	vm6 =	vlt.f32 v13, $1.000000000e+00;
	v6 =	vmul.f32 $2.560000000e+02, v1  }
0x8d: {  	vm8 =	vlt.f32 v12, $1.000000000e+00;
	vm0 =	vmand vm4, vm5;
	v0 =	vtrunc.f32 v5  }
0x8e: {  	vm0 =	vmand vm0, vm6;
	v5 =	vtrunc.f32 v6;
	v0 =	vcvt.f32.s32 v0  }
0x8f: {  	vm0 =	vmand vm8, vm0;
	v6 =	vand.u32 $0x80, v11;
	v5 =	vcvt.f32.s32 v5  }
0x90: {  	vm9 =	veq.s32 v6, $0x0;
	v6 =	vand.u32 $0xFFFF0000, v4;
	v7 =	vshll.u32 v0, $0x8  }
0x91: {  	v4 =	vshll.u32 v4, $0x10;
	v5 =	vand.u32 $0xFF, v5;
	v7 =	vand.u32 $0x7F00, v7  }
0x92: {  	vm0 =	vmand vm7, vm0;
	v4 =	vsel vm9, v4, v6;
	v5 =	vor.u32 v5, v7  }
0x93: {  	v4 =	vnsel vm0, $0x0, v4  }
0x94: {  	v4 =	vmul.f32 v4, v2;
	_ =	sdelay $0x1  }
0x95: {  	[tilespmem:s24+$0x197C0] =	vst v4  }
0x96: {  	v4 =	vld.idx.msk [tilespmem:v5+s13+$0x0], $0xffff;
	_ =	sdelay $0x1  }
0x97: {  	vm14 =	vgt.f32 v15, $9.999999930e-09;
	vm10 =	vge.f32 v1, $0.0e+00;
	vm11 =	vge.f32 v3, $0.0e+00  }
0x98: {  	vm12 =	vlt.f32 v1, $1.000000000e+00;
	v0 =	vand.u32 $0x80, v0;
	vm0 =	vmand vm10, vm11  }
0x99: {  	vm13 =	vlt.f32 v3, $1.000000000e+00;
	vm15 =	veq.s32 v0, $0x0;
	vm0 =	vmand vm0, vm12  }
0x9a: {  	vm0 =	vmand vm13, vm0;
	v0 =	vand.u32 $0xFFFF0000, v4;
	v1 =	vshll.u32 v4, $0x10  }
0x9b: {  	vm0 =	vmand vm14, vm0;
	v0 =	vsel vm15, v1, v0  }
0x9c: {  	v0 =	vnsel vm0, $0x0, v0  }
0x9d: {  	v0 =	vmul.f32 v0, v2;
	_ =	sdelay $0x1  }
0x9e: {  	[tilespmem:s26+$0x197C0] =	vst v0  }
0x9f: {  	_ =	swait.ge [sflag:s21], $0x8000  }
0xa0: {  	[sflag:s21] =	ssyncset.done $0x0  }
0xa1: {  	[sflag:s21] =	ssyncadd.s32 $0xFFFF8000  }
0xa2: {  	v14 =	vld [tilespmem:s10+$0x80]  }
0xa3: {  	s25 =	simm.s32 $0x0;
	v15 =	vld [tilespmem:s10+$0x90]  }
0xa4: {  	v0 =	vld [tilespmem:s25+$0x4C0]  }
0xa5: {  	v1 =	vld [tilespmem:s25+$0x35C0]  }
0xa6: {  	v17 =	vld [tilespmem:s10+$0xA0]  }
0xa7: {  	v2 =	vld [tilespmem:s25+$0x66C0];
	_ =	sdelay $0x2  }
0xa8: {  	v3 =	vmul.f32 v0, v14;
	v4 =	vmul.f32 v1, v15  }
0xa9: {  	v13 =	vld [tilespmem:s10+$0xB0]  }
0xaa: {  	v5 =	vmul.f32 v2, v17;
	v3 =	vadd.f32 v4, v3;
	_ =	sdelay $0x1  }
0xab: {  	v18 =	vld [tilespmem:s10+$0x0];
	v3 =	vadd.f32 v5, v3  }
0xac: {  	v11 =	vld [tilespmem:s10+$0x10]  }
0xad: {  	v10 =	vld [tilespmem:s10+$0x40];
	v16 =	vadd.f32 v3, v13  }
0xae: {  	v12 =	vld [tilespmem:s10+$0x50]  }
0xaf: {  	v19 =	vld [tilespmem:s10+$0x20];
	v3 =	vadd.f32 $9.999999930e-09, v16  }
0xb0: {  	v20 =	vld [tilespmem:s10+$0x60]  }
0xb1: {  	(erf) = vrcp.f32 v3  }
0xb2: {  	s24 =	simm.s32 $0x10;
	v6 =	vld [tilespmem:s10+$0x70];
	v4 =	vmul.f32 v0, v18;
	v0 =	vmul.f32 v0, v10  }
0xb3: {  	v24 =	vld [tilespmem:s24+$0x4C0];
	v5 =	vmul.f32 v1, v11;
	v1 =	vmul.f32 v1, v12  }
0xb4: {  	v7 =	vmul.f32 v2, v19;
	v3 =	vld [tilespmem:s10+$0x30]  }
0xb5: {  	v25 =	vld [tilespmem:s24+$0x35C0];
	v2 =	vmul.f32 v2, v20;
	v4 =	vadd.f32 v5, v4;
	v0 =	vadd.f32 v1, v0;
	_ =	sdelay $0x1  }
0xb6: {  	v27 =	vld [tilespmem:s24+$0x66C0];
	v1 =	vadd.f32 v7, v4;
	v0 =	vadd.f32 v2, v0;
	_ =	sdelay $0x1  }
0xb7: {  	v2 =	vadd.f32 v0, v6;
	v1 =	vadd.f32 v1, v3  }
0xb8: {  	v5 =	vmul.f32 v25, v15;
	v4 =	vmul.f32 v24, v14;
	v7 =	vpop (erf)  }
0xb9: {  	v0 =	vld [tilespmem:s10+$0xC0];
	v8 =	vmul.f32 v7, v1;
	v7 =	vmul.f32 v7, v2  }
0xba: {  	v9 =	vmul.f32 v27, v17;
	v1 =	vld [tilespmem:s10+$0xF0]  }
0xbb: {  	v4 =	vadd.f32 v5, v4;
	v2 =	vld [tilespmem:s10+$0x100];
	v21 =	vshrl.u32 v8, $0x10;
	v22 =	vshrl.u32 v7, $0x10  }
0xbc: {  	v5 =	vld [tilespmem:s10+$0xD0];
	v21 =	vand.u32 $0x1, v21;
	v22 =	vand.u32 $0x1, v22  }
0xbd: {  	v4 =	vadd.f32 v9, v4;
	v8 =	vadd.s32 v21, v8;
	v7 =	vadd.s32 v22, v7  }
0xbe: {  	v21 =	vadd.s32 $0x7FFF, v8;
	v7 =	vadd.s32 $0x7FFF, v7  }
0xbf: {  	v9 =	vadd.f32 v4, v13;
	v8 =	vld [tilespmem:s10+$0x110];
	v4 =	vand.u32 $0xFFFF0000, v21;
	v21 =	vand.u32 $0xFFFF0000, v7  }
0xc0: {  	v7 =	vld [tilespmem:s10+$0xE0];
	v22 =	vmul.f32 v4, v1;
	v23 =	vmul.f32 v21, v2  }
0xc1: {  	v28 =	vadd.f32 $9.999999930e-09, v9;
	v4 =	vmul.f32 v4, v0;
	v21 =	vmul.f32 v21, v5  }
0xc2: {  	s26 =	simm.s32 $0x20;
	v23 =	vadd.f32 v23, v22  }
0xc3: {  	(erf) = vrcp.f32 v28;
	v22 =	vld [tilespmem:s26+$0x4C0];
	v4 =	vadd.f32 v21, v4  }
0xc4: {  	v30 =	vmul.f32 v25, v11;
	v28 =	vmul.f32 v24, v18;
	v23 =	vadd.f32 v23, v8  }
0xc5: {  	v31 =	vmul.f32 v24, v10;
	v25 =	vmul.f32 v25, v12;
	v21 =	vld [tilespmem:s26+$0x35C0];
	v24 =	vadd.f32 v4, v7  }
0xc6: {  	v26 =	vld [tilespmem:s26+$0x66C0];
	v29 =	vmul.f32 v27, v19;
	v28 =	vadd.f32 v30, v28;
	v30 =	vmul.f32 $2.560000000e+02, v23  }
0xc7: {  	v25 =	vadd.f32 v25, v31;
	v4 =	vmul.f32 v27, v20;
	v31 =	vmul.f32 $2.560000000e+02, v24  }
0xc8: {  	v28 =	vadd.f32 v29, v28;
	v61 =	vmul.f32 v22, v14;
	v29 =	vtrunc.f32 v30  }
0xc9: {  	v4 =	vadd.f32 v4, v25;
	v30 =	vtrunc.f32 v31;
	v25 =	vcvt.f32.s32 v29  }
0xca: {  	v28 =	vadd.f32 v28, v3;
	v29 =	vmul.f32 v21, v15;
	v30 =	vcvt.f32.s32 v30  }
0xcb: {  	v27 =	vmul.f32 v26, v17;
	v62 =	vadd.f32 v4, v6;
	v4 =	vshll.u32 v25, $0x8  }
0xcc: {  	v63 =	vpop (erf);
	v31 =	vadd.f32 v29, v61;
	v35 =	vand.u32 $0xFF, v30;
	v34 =	vand.u32 $0x7F00, v4  }
0xcd: {  	s28 =	simm.s32 $0xC0;
	v29 =	vmul.f32 v63, v28;
	v30 =	vmul.f32 v63, v62;
	v4 =	vld [tilespmem:s10+$0x120];
	v28 =	vor.u32 v35, v34  }
.LBB2_4:
0xce: {  	p0 =	sne.s32 s28, $0xC3C0;
	v32 =	vmul.f32 v26, v19;
	v33 =	vmul.f32 v26, v20  }
0xcf: {  	v26 =	vadd.f32 v27, v31;
	v27 =	vshrl.u32 v29, $0x10;
	v31 =	vshrl.u32 v30, $0x10  }
0xd0: {  	v34 =	vmul.f32 v22, v18;
	v27 =	vand.u32 $0x1, v27;
	v31 =	vand.u32 $0x1, v31  }
0xd1: {  	v26 =	vadd.f32 v26, v13;
	v27 =	vadd.s32 v27, v29;
	v29 =	vadd.s32 v31, v30  }
0xd2: {  	vm0 =	vgt.f32 v16, $9.999999930e-09;
	v16 =	vmovc v9;
	v27 =	vadd.s32 $0x7FFF, v27;
	v29 =	vadd.s32 $0x7FFF, v29;
	v28 =	vld.idx.msk [tilespmem:v28+s20+$0x0], $0xffff  }
0xd3: {  	v30 =	vadd.f32 $9.999999930e-09, v26;
	v9 =	vmovc v26;
	v27 =	vand.u32 $0xFFFF0000, v27;
	v29 =	vand.u32 $0xFFFF0000, v29  }
0xd4: {  	vm1 =	vge.f32 v24, $0.0e+00;
	vm2 =	vge.f32 v23, $0.0e+00;
	v31 =	vmul.f32 v27, v0  }
0xd5: {  	vm3 =	vlt.f32 v24, $1.000000000e+00;
	vm1 =	vmand vm1, vm2;
	v35 =	vmul.f32 v29, v5  }
0xd6: {  	vm2 =	vlt.f32 v23, $1.000000000e+00;
	vm1 =	vmand vm1, vm3;
	v24 =	vmul.f32 v27, v1  }
0xd7: {  	v25 =	vand.u32 $0x80, v25;
	vm1 =	vmand vm2, vm1;
	v23 =	vmul.f32 v29, v2  }
0xd8: {  	s29 =	sshra.s32 s28, $0x2;
	vm2 =	veq.s32 v25, $0x0;
	v25 =	vand.u32 $0xFFFF0000, v28;
	v27 =	vshll.u32 v28, $0x10;
	v28 =	vld [tilespmem:s25+$0x197C0]  }
0xd9: {  	vm0 =	vmand vm0, vm1;
	v23 =	vadd.f32 v23, v24;
	v24 =	vsel vm2, v27, v25;
	v26 =	vld [tilespmem:s29+$0x66C0]  }
0xda: {  	v27 =	vadd.f32 v35, v31;
	v24 =	vnsel vm0, $0x0, v24;
	v25 =	vld [tilespmem:s29+$0x4C0];
	(erf) = vrcp.f32 v30  }
0xdb: {  	v29 =	vmul.f32 v21, v11;
	v23 =	vadd.f32 v23, v8;
	v30 =	vmul.f32 v24, v4  }
0xdc: {  	v36 =	vmul.f32 v22, v10;
	v31 =	vmul.f32 v21, v12;
	v24 =	vadd.f32 v27, v7;
	v21 =	vld [tilespmem:s29+$0x35C0]  }
0xdd: {  	v29 =	vadd.f32 v29, v34;
	v34 =	vmul.f32 $2.560000000e+02, v23;
	v28 =	vadd.f32 v30, v28  }
0xde: {  	v30 =	vadd.f32 v31, v36;
	v31 =	vmul.f32 $2.560000000e+02, v24;
	v27 =	vmul.f32 v26, v17  }
0xdf: {  	v29 =	vadd.f32 v32, v29;
	v32 =	vtrunc.f32 v34;
	v35 =	vmul.f32 v25, v14;
	[tilespmem:s25+$0x197C0] =	vst v28;
	v22 =	vmovc v25;
	s25 =	smov.u32 s24;
	s24 =	smov.u32 s26;
	s26 =	smov.u32 s29  }
.Ltmp1:
0xe0: {  	v28 =	vadd.f32 v33, v30;
	v30 =	vtrunc.f32 v31;
	v25 =	vcvt.f32.s32 v32;
	(pc) =	sbr.rel @p0 .LBB2_4-.Ltmp1, $4  }
0xe1: {  	v30 =	vcvt.f32.s32 v30;
	v31 =	vmul.f32 v21, v15  }
0xe2: {  	v29 =	vadd.f32 v29, v3;
	v28 =	vadd.f32 v28, v6;
	v32 =	vshll.u32 v25, $0x8  }
0xe3: {  	v32 =	vand.u32 $0x7F00, v32;
	v34 =	vand.u32 $0xFF, v30;
	v31 =	vadd.f32 v31, v35;
	v33 =	vpop (erf)  }
0xe4: {  	s28 =	sadd.s32 $0x40, s28;
	v29 =	vmul.f32 v33, v29;
	v30 =	vmul.f32 v33, v28;
	v28 =	vor.u32 v34, v32  }
0xe5: {  	v14 =	vmul.f32 v26, v19;
	v15 =	vmul.f32 v26, v20  }
0xe6: {  	v17 =	vadd.f32 v27, v31;
	v18 =	vmul.f32 v22, v18;
	vm0 =	vgt.f32 v16, $9.999999930e-09  }
0xe7: {  	vm1 =	vge.f32 v24, $0.0e+00;
	vm2 =	vge.f32 v23, $0.0e+00;
	vm3 =	vlt.f32 v24, $1.000000000e+00  }
0xe8: {  	vm12 =	vlt.f32 v23, $1.000000000e+00;
	v11 =	vmul.f32 v21, v11;
	v33 =	vand.u32 $0x80, v25  }
0xe9: {  	v10 =	vmul.f32 v22, v10;
	v12 =	vmul.f32 v21, v12;
	v13 =	vadd.f32 v17, v13  }
0xea: {  	v58 =	vshrl.u32 v29, $0x10;
	v59 =	vshrl.u32 v30, $0x10;
	vm1 =	vmand vm1, vm2  }
0xeb: {  	v19 =	vand.u32 $0x1, v58;
	v20 =	vand.u32 $0x1, v59;
	v62 =	vadd.f32 $9.999999930e-09, v13  }
0xec: {  	v63 =	vld.idx.msk [tilespmem:v28+s20+$0x0], $0xffff;
	vm13 =	veq.s32 v33, $0x0;
	v60 =	vadd.s32 v19, v29;
	v61 =	vadd.s32 v20, v30  }
0xed: {  	v17 =	vadd.s32 $0x7FFF, v60;
	v19 =	vadd.s32 $0x7FFF, v61;
	(erf) = vrcp.f32 v62  }
0xee: {  	vm1 =	vmand vm1, vm3;
	v17 =	vand.u32 $0xFFFF0000, v17;
	v19 =	vand.u32 $0xFFFF0000, v19  }
0xef: {  	v11 =	vadd.f32 v11, v18;
	v30 =	vmul.f32 v17, v0;
	v31 =	vmul.f32 v19, v5  }
0xf0: {  	vm1 =	vmand vm12, vm1;
	v17 =	vmul.f32 v17, v1;
	v32 =	vmul.f32 v19, v2  }
0xf1: {  	v10 =	vadd.f32 v12, v10;
	vm0 =	vmand vm0, vm1;
	v34 =	vand.u32 $0xFFFF0000, v63  }
0xf2: {  	v20 =	vshll.u32 v63, $0x10;
	v35 =	vadd.f32 v32, v17;
	v36 =	vadd.f32 v31, v30  }
0xf3: {  	v11 =	vadd.f32 v14, v11;
	v10 =	vadd.f32 v15, v10;
	v37 =	vsel vm13, v20, v34  }
0xf4: {  	v38 =	vnsel vm0, $0x0, v37;
	v12 =	vadd.f32 v35, v8;
	v39 =	vadd.f32 v36, v7  }
0xf5: {  	v3 =	vadd.f32 v11, v3;
	v6 =	vadd.f32 v10, v6;
	v14 =	vmul.f32 v38, v4  }
0xf6: {  	v40 =	vmul.f32 $2.560000000e+02, v12;
	v41 =	vmul.f32 $2.560000000e+02, v39;
	v42 =	vpop (erf)  }
0xf7: {  	v3 =	vmul.f32 v42, v3;
	v6 =	vmul.f32 v42, v6  }
0xf8: {  	v10 =	vtrunc.f32 v40;
	v11 =	vtrunc.f32 v41  }
0xf9: {  	v10 =	vcvt.f32.s32 v10;
	v43 =	vshrl.u32 v3, $0x10;
	v44 =	vshrl.u32 v6, $0x10  }
0xfa: {  	v11 =	vcvt.f32.s32 v11;
	v16 =	vand.u32 $0x1, v43;
	v17 =	vand.u32 $0x1, v44  }
0xfb: {  	v45 =	vld [tilespmem:s25+$0x197C0];
	v46 =	vshll.u32 v10, $0x8;
	v3 =	vadd.s32 v16, v3;
	v6 =	vadd.s32 v17, v6  }
0xfc: {  	v11 =	vand.u32 $0xFF, v11;
	v3 =	vadd.s32 $0x7FFF, v3;
	v6 =	vadd.s32 $0x7FFF, v6  }
0xfd: {  	v47 =	vand.u32 $0x7F00, v46;
	v3 =	vand.u32 $0xFFFF0000, v3;
	v6 =	vand.u32 $0xFFFF0000, v6  }
0xfe: {  	v11 =	vor.u32 v11, v47;
	v48 =	vmul.f32 v3, v1;
	v49 =	vmul.f32 v6, v2  }
0xff: {  	v50 =	vmul.f32 v3, v0;
	v51 =	vmul.f32 v6, v5  }
0x100: {  	v52 =	vadd.f32 v14, v45;
	v1 =	vadd.f32 v49, v48  }
0x101: {  	v0 =	vadd.f32 v51, v50  }
0x102: {  	vm14 =	vgt.f32 v9, $9.999999930e-09;
	[tilespmem:s25+$0x197C0] =	vst v52;
	v1 =	vadd.f32 v1, v8  }
0x103: {  	vm15 =	vge.f32 v39, $0.0e+00;
	vm6 =	vge.f32 v12, $0.0e+00;
	v53 =	vld.idx.msk [tilespmem:v11+s20+$0x0], $0xffff;
	v0 =	vadd.f32 v0, v7  }
0x104: {  	vm7 =	vlt.f32 v39, $1.000000000e+00;
	vm1 =	vmand vm15, vm6;
	v54 =	vmul.f32 $2.560000000e+02, v1  }
0x105: {  	vm8 =	vlt.f32 v12, $1.000000000e+00;
	vm1 =	vmand vm1, vm7;
	v55 =	vmul.f32 $2.560000000e+02, v0  }
0x106: {  	vm1 =	vmand vm8, vm1;
	v56 =	vand.u32 $0x80, v10;
	v3 =	vtrunc.f32 v54  }
0x107: {  	vm9 =	veq.s32 v56, $0x0;
	v5 =	vtrunc.f32 v55;
	v3 =	vcvt.f32.s32 v3  }
0x108: {  	v58 =	vld [tilespmem:s24+$0x197C0];
	v57 =	vand.u32 $0xFFFF0000, v53;
	v2 =	vshll.u32 v53, $0x10;
	v5 =	vcvt.f32.s32 v5  }
0x109: {  	vm0 =	vmand vm14, vm1;
	v2 =	vsel vm9, v2, v57;
	v59 =	vshll.u32 v3, $0x8  }
0x10a: {  	v2 =	vnsel vm0, $0x0, v2;
	v5 =	vand.u32 $0xFF, v5;
	v6 =	vand.u32 $0x7F00, v59  }
0x10b: {  	v2 =	vmul.f32 v2, v4;
	v5 =	vor.u32 v5, v6;
	_ =	sdelay $0x1  }
0x10c: {  	v2 =	vadd.f32 v2, v58;
	_ =	sdelay $0x1  }
0x10d: {  	[tilespmem:s24+$0x197C0] =	vst v2  }
0x10e: {  	v2 =	vld.idx.msk [tilespmem:v5+s20+$0x0], $0xffff  }
0x10f: {  	vm10 =	vge.f32 v0, $0.0e+00;
	vm11 =	vge.f32 v1, $0.0e+00  }
0x110: {  	vm12 =	vlt.f32 v0, $1.000000000e+00;
	vm0 =	vmand vm10, vm11  }
0x111: {  	vm13 =	vlt.f32 v1, $1.000000000e+00;
	vm0 =	vmand vm0, vm12  }
0x112: {  	vm14 =	vgt.f32 v13, $9.999999930e-09;
	vm0 =	vmand vm13, vm0;
	v60 =	vand.u32 $0x80, v3  }
0x113: {  	vm15 =	veq.s32 v60, $0x0;
	v63 =	vld [tilespmem:s26+$0x197C0];
	v61 =	vand.u32 $0xFFFF0000, v2;
	v62 =	vshll.u32 v2, $0x10  }
0x114: {  	vm0 =	vmand vm14, vm0;
	v0 =	vsel vm15, v62, v61  }
0x115: {  	v0 =	vnsel vm0, $0x0, v0  }
0x116: {  	v0 =	vmul.f32 v0, v4;
	_ =	sdelay $0x1  }
0x117: {  	s23 =	sadd.s32 $0x1, s23;
	v0 =	vadd.f32 v0, v63  }
0x118: {  	p0 =	sne.s32 s23, s12  }
.Ltmp2:
0x119: {  	[tilespmem:s26+$0x197C0] =	vst v0;
	(pc) =	sbr.rel @p0 .LBB2_1-.Ltmp2, $4  }
0x11a: {  	[hbm4b:s11+s3] =	stream.linear.scatter [tilespmem:s22], [sflag:$0x4], $0x3100, $0x38;
	[tilespmem:$0x1C8C0] =	vst v63  }
0x11b: {  	_ =	swait.ge [sflag:s17], $0x3100  }
0x11c: {  	[sflag:s17] =	ssyncset.done $0x0  }
0x11d: {  	[sflag:s17] =	ssyncadd.s32 $0xFFFFCF00  }
0x11e: {  	_ =	sfence.sel $0x180000  }
0x11f: {  	[bflag:$0x0] =	sbarrier.arrive $0xFFFF  }
0x120: {  	p0 =	sne.s32 s1, $0x0;
	_ =	strace $0x90000047  }
0x121: {  	s0 =	sadd.s32 @!p0 $0x100000, s0;
	[bflag:$0x2] =	sbarrier.arrive $0xFFFF  }
0x122: {  	[sflag:s0] =	ssyncadd.tile.s32 @!p0 $0x1;
	_ =	shalt  }
.Lfunc_end2:
_tile_overlayer_lowered:
.L_overlay_start_2:
0x123: {  	(tag) =	ssettag $0x2  }
0x124: {  	s0 =	rddreg [dreg:$0x0];
	s2 =	stileid.u32  }
0x125: {  	s1 =	rddreg [dreg:$0x1];
	p0 =	sne.s32 s2, $0x0  }
0x126: {  	s3 =	rddreg [dreg:$0x2];
	[bflag:$0x3] =	sbarrier.arrive $0xFFFF;
	s2 =	simm.s32 @!p0 $0x1C04  }
0x127: {  	[timem:s3], [sflag:s2] =	dma.local @!p0 [hbm:s0], s1  }
0x128: {  	s0 =	simm.s32 @!p0 $0x4  }
0x129: {  	_ =	swait.ge @!p0 [sflag:s0], s1  }
0x12a: {  	s1 =	ssub.s32 @!p0 $0x0, s1;
	[sflag:s0] =	ssyncset.done @!p0 $0x0  }
0x12b: {  	[sflag:s0] =	ssyncadd.s32 @!p0 s1  }
0x12c: {  	[bflag:$0x3] =	sbarrier.arrive $0xFFFF  }
0x12d: {  	_ =	shalt  }

</sc_bundles>
